<compile_context>
chip_gen: v7x
topology: tpu7x:2x2x1
jax: 0.10.2.dev20260603
libtpu: 0.0.44.dev20260713+nightly
codegen_flags: <defaults>
</compile_context>

<pallas_src>
import functools
import jax
import jax.numpy as jnp
from jax import lax
from jax.experimental import pallas as pl
from jax.experimental.pallas import tpu as pltpu
from jax.experimental.pallas import tpu_sc as plsc

_CONF_THRESH = 0.25
_IOU_THRESH = 0.45
_MAX_DET = 100
_NC = 80
_ROWS = 160
_LANES = 128
_NPAD = _ROWS * _LANES
_L = 16
_NSLICE = _NPAD // _L


def _decode_body(p_ref, o_ref):
    p = p_ref[0]
    obj = p[4]
    mc = p[5] * obj
    for c in range(1, _NC):
        mc = jnp.maximum(mc, p[5 + c] * obj)
    carg = jnp.zeros((_ROWS, _LANES), jnp.int32)
    for c in range(_NC - 1, -1, -1):
        carg = jnp.where(p[5 + c] * obj == mc, c, carg)
    scores = jnp.where(mc > _CONF_THRESH, mc, -1.0)
    x = p[0]
    y = p[1]
    w = p[2]
    h = p[3]
    off = carg.astype(jnp.float32) * 4096.0
    o_ref[0, 0] = scores
    o_ref[0, 1] = (x - w / 2.0) + off
    o_ref[0, 2] = (y - h / 2.0) + off
    o_ref[0, 3] = (x + w / 2.0) + off
    o_ref[0, 4] = (y + h / 2.0) + off


def _decode(predT):
    b, c = predT.shape[0], predT.shape[1]
    return pl.pallas_call(
        _decode_body,
        grid=(b,),
        in_specs=[pl.BlockSpec((1, c, _ROWS, _LANES), lambda i: (i, 0, 0, 0))],
        out_specs=pl.BlockSpec((1, 5, _ROWS, _LANES), lambda i: (i, 0, 0, 0)),
        out_shape=jax.ShapeDtypeStruct((b, 5, _ROWS, _LANES), jnp.float32),
    )(predT)


def _sc_nms(dec_flat, b):
    mesh = plsc.VectorSubcoreMesh(core_axis_name="c", subcore_axis_name="s")
    outlen = _MAX_DET * _L

    @functools.partial(
        pl.kernel,
        mesh=mesh,
        out_type=jax.ShapeDtypeStruct((b * outlen,), jnp.float32),
        scratch_types=[
            pltpu.VMEM((_NPAD,), jnp.float32),
            pltpu.VMEM((_NPAD,), jnp.float32),
            pltpu.VMEM((_NPAD,), jnp.float32),
            pltpu.VMEM((_NPAD,), jnp.float32),
            pltpu.VMEM((_NPAD,), jnp.float32),
            pltpu.VMEM((_L,), jnp.float32),
            pltpu.VMEM((outlen,), jnp.float32),
        ],
    )
    def k(dec_hbm, out_hbm, sc_v, bx1_v, by1_v, bx2_v, by2_v, ex_v, out_v):
        wid = lax.axis_index("s") * 2 + lax.axis_index("c")

        @pl.when(wid < b)
        def _():
            base_in = wid * 5 * _NPAD
            pltpu.sync_copy(dec_hbm.at[pl.ds(base_in + 0 * _NPAD, _NPAD)], sc_v)
            pltpu.sync_copy(dec_hbm.at[pl.ds(base_in + 1 * _NPAD, _NPAD)], bx1_v)
            pltpu.sync_copy(dec_hbm.at[pl.ds(base_in + 2 * _NPAD, _NPAD)], by1_v)
            pltpu.sync_copy(dec_hbm.at[pl.ds(base_in + 3 * _NPAD, _NPAD)], bx2_v)
            pltpu.sync_copy(dec_hbm.at[pl.ds(base_in + 4 * _NPAD, _NPAD)], by2_v)

            liota = lax.iota(jnp.int32, _L)

            def perm_xor(v, s):
                return v.at[liota ^ s].get(mode="promise_in_bounds")

            def splat(v, lane):
                return v.at[liota * 0 + lane].get(mode="promise_in_bounds")

            def one_det(i, _):
                def amax_body(j, carry):
                    m16, i16 = carry
                    v = sc_v[pl.ds(j * _L, _L)]
                    gt = v > m16
                    i16 = jnp.where(gt, j * _L + liota, i16)
                    m16 = jnp.where(gt, v, m16)
                    return m16, i16

                m16, i16 = lax.fori_loop(
                    0, _NSLICE, amax_body,
                    (jnp.full((_L,), -2.0, jnp.float32),
                     jnp.zeros((_L,), jnp.int32)))
                mg = m16
                for s in (1, 2, 4, 8):
                    mg = jnp.maximum(mg, perm_xor(mg, s))
                cand = jnp.where(m16 == mg, i16, _NPAD)
                for s in (1, 2, 4, 8):
                    cand = jnp.minimum(cand, perm_xor(cand, s))
                idx16 = cand

                gidx = base_in + (jnp.minimum(liota, 3) + 1) * _NPAD + idx16
                pltpu.sync_copy(dec_hbm.at[gidx], ex_v)
                ev = ex_v[...]
                ebx1 = splat(ev, 0)
                eby1 = splat(ev, 1)
                ebx2 = splat(ev, 2)
                eby2 = splat(ev, 3)
                a1 = (ebx2 - ebx1) * (eby2 - eby1)
                valid = mg > 0.0
                vf = jnp.where(valid, 1.0, 0.0)

                ecls = (ebx1 * (1.0 / 4096.0) + 0.5).astype(jnp.int32)
                eclsf = ecls.astype(jnp.float32)
                eoff = eclsf * 4096.0
                row = (
                    jnp.where(liota == 0, ebx1 - eoff, 0.0)
                    + jnp.where(liota == 1, eby1 - eoff, 0.0)
                    + jnp.where(liota == 2, ebx2 - eoff, 0.0)
                    + jnp.where(liota == 3, eby2 - eoff, 0.0)
                    + jnp.where(liota == 4, jnp.maximum(mg, 0.0), 0.0)
                    + jnp.where(liota == 5, eclsf, 0.0)
                ) * vf
                out_v[pl.ds(i * _L, _L)] = row

                def sup_body(j, _):
                    s = pl.ds(j * _L, _L)
                    bx1 = bx1_v[s]
                    by1 = by1_v[s]
                    bx2 = bx2_v[s]
                    by2 = by2_v[s]
                    xx1 = jnp.maximum(ebx1, bx1)
                    yy1 = jnp.maximum(eby1, by1)
                    xx2 = jnp.minimum(ebx2, bx2)
                    yy2 = jnp.minimum(eby2, by2)
                    inter = jnp.maximum(xx2 - xx1, 0.0) * jnp.maximum(
                        yy2 - yy1, 0.0)
                    a2 = (bx2 - bx1) * (by2 - by1)
                    iou = inter / (a1 + a2 - inter + 1e-9)
                    sup = (iou > _IOU_THRESH) & valid
                    kill = sup | (j * _L + liota == idx16)
                    sc = sc_v[s]
                    sc_v[s] = jnp.where(kill, -1.0, sc)
                    return 0

                lax.fori_loop(0, _NSLICE, sup_body, 0)
                return 0

            lax.fori_loop(0, _MAX_DET, one_det, 0)
            pltpu.sync_copy(out_v, out_hbm.at[pl.ds(wid * outlen, outlen)])

    return k(dec_flat)


def kernel(pred):
    b, n, c = pred.shape
    predT = jnp.swapaxes(pred, 1, 2)
    predT = jnp.pad(predT, ((0, 0), (0, 0), (0, _NPAD - n)))
    predT = predT.reshape(b, c, _ROWS, _LANES)
    dec = _decode(predT).reshape(b * 5 * _NPAD)
    out = _sc_nms(dec, b)
    out = out.reshape(b, _MAX_DET, _L)
    return out[:, :, :6]

# --- scband reference (transcript-rebuilt; emitter-appended) ---
"""Pipeline reference for scband-yolo-wrapper-14869176779133 (READ-ONLY COPY).

The authoritative reference and input builder live on the scoring server;
editing this copy changes nothing except your own understanding.
"""

import jax, jax.numpy as jnp
import numpy as np

CONF_THRESH = 0.25
IOU_THRESH = 0.45
MAX_DET = 100
B, N, NC = 8, 20000, 80


def setup_inputs(seed: int = 0) -> dict:
    key = jax.random.key(seed)
    pred = jax.random.uniform(key, (B, N, 5 + NC), dtype=jnp.float32)
    # scale xywh to realistic pixel coordinates (640x640 image)
    scale = jnp.concatenate([jnp.full((4,), 640.0, dtype=jnp.float32), jnp.ones((1 + NC,), dtype=jnp.float32)])
    pred = pred * scale
    return {"pred": pred}


def xywh2xyxy(x):
    return jnp.stack([
        x[:, 0] - x[:, 2] / 2.0,
        x[:, 1] - x[:, 3] / 2.0,
        x[:, 0] + x[:, 2] / 2.0,
        x[:, 1] + x[:, 3] / 2.0,
    ], axis=1)


def box_iou_one(b, bs):
    x1 = jnp.maximum(b[0], bs[:, 0])
    y1 = jnp.maximum(b[1], bs[:, 1])
    x2 = jnp.minimum(b[2], bs[:, 2])
    y2 = jnp.minimum(b[3], bs[:, 3])
    inter = jnp.clip(x2 - x1, 0.0) * jnp.clip(y2 - y1, 0.0)
    a1 = (b[2] - b[0]) * (b[3] - b[1])
    a2 = (bs[:, 2] - bs[:, 0]) * (bs[:, 3] - bs[:, 1])
    return inter / (a1 + a2 - inter + 1e-9)


def nms_single(pred_i):
    boxes = xywh2xyxy(pred_i[:, :4])
    obj = pred_i[:, 4]
    cls_conf = pred_i[:, 5:] * obj[:, None]
    scores = jnp.max(cls_conf, axis=1)           # multi_label=False: best class only
    classes = jnp.argmax(cls_conf, axis=1)
    scores = jnp.where(scores > CONF_THRESH, scores, -1.0)
    # class-agnostic offset trick so boxes of different classes never suppress each other
    off = classes.astype(jnp.float32) * 4096.0
    b_off = boxes + off[:, None]

    def body(sc, _):
        idx = jnp.argmax(sc)
        best = sc[idx]
        iou = box_iou_one(b_off[idx], b_off)
        valid = best > 0.0
        suppress = (iou > IOU_THRESH) & valid
        sc2 = jnp.where(suppress, -1.0, sc)
        sc2 = sc2.at[idx].set(-1.0)
        row = jnp.concatenate([
            boxes[idx],
            jnp.maximum(best, 0.0)[None],
            classes[idx].astype(jnp.float32)[None],
        ])
        row = row * valid.astype(jnp.float32)
        return sc2, row

    _, rows = jax.lax.scan(body, scores, None, length=MAX_DET)
    return rows  # [MAX_DET, 6] = (x1, y1, x2, y2, conf, cls), zero-padded


def reference(pred):
    return jax.vmap(nms_single)(pred)

if __name__ == "__main__":
    import jax
    _d = setup_inputs()
    print(jax.jit(kernel)(*tuple(_d.values())))

</pallas_src>

<mosaic_0001>
#map = affine_map<(d0, d1) -> (0)>
module attributes {stable_mosaic.version = 14 : i64} {
  func.func @k(%arg0: i32, %arg1: i32, %arg2: memref<819200xf32, #tpu.memory_space<hbm>>, %arg3: memref<12800xf32, #tpu.memory_space<hbm>>, %arg4: memref<20480xf32, #tpu.memory_space<vmem>>, %arg5: memref<20480xf32, #tpu.memory_space<vmem>>, %arg6: memref<20480xf32, #tpu.memory_space<vmem>>, %arg7: memref<20480xf32, #tpu.memory_space<vmem>>, %arg8: memref<20480xf32, #tpu.memory_space<vmem>>, %arg9: memref<16xf32, #tpu.memory_space<vmem>>, %arg10: memref<1600xf32, #tpu.memory_space<vmem>>) attributes {dimension_semantics = [#tpu.dimension_semantics<core_parallel>, #tpu.dimension_semantics<subcore_parallel>], iteration_bounds = array<i64: 2, 16>, scalar_prefetch = 0 : i64, scratch_operands = 7 : i64, tpu.core_type = #tpu.core_type<sc_vector_subcore>, window_params = [{transform_indices = #map}, {transform_indices = #map}]} {
    %mul3A = arith.constant 2 : i32
    %mul3A_0 = arith.muli %arg1, %mul3A : i32
    %add3A = arith.addi %mul3A_0, %arg0 : i32
    %lt3A = arith.constant 8 : i32
    %lt3A_1 = arith.cmpi slt, %add3A, %lt3A : i32
    %convert_element_type3A = arith.extui %lt3A_1 : i1 to i32
    %cond3A = arith.constant 0 : i32
    %cond3A_2 = arith.cmpi ne, %convert_element_type3A, %cond3A : i32
    scf.if %cond3A_2 {
      %mul3A_3 = arith.constant 5 : i32
      %mul3A_4 = arith.muli %add3A, %mul3A_3 : i32
      %mul3A_5 = arith.constant 20480 : i32
      %mul3A_6 = arith.muli %mul3A_4, %mul3A_5 : i32
      %add3A_7 = arith.constant 0 : i32
      %add3A_8 = arith.addi %mul3A_6, %add3A_7 : i32
      "tpu.region"() ({
        %run_scoped3A = tpu.sem_alloc : memref<!tpu.dma_semaphore, #tpu.memory_space<semaphore_mem>>
        %dma_start3A = tpu.memref_slice %arg2[%add3A_8] : memref<819200xf32, #tpu.memory_space<hbm>> -> memref<20480xf32, #tpu.memory_space<hbm>>
        %dma_start3A_25 = tpu.memref_slice %arg2[%add3A_8] : memref<819200xf32, #tpu.memory_space<hbm>> -> memref<20480xf32, #tpu.memory_space<hbm>>
        tpu.enqueue_dma source(%dma_start3A_25 : memref<20480xf32, #tpu.memory_space<hbm>>) target(%arg4 : memref<20480xf32, #tpu.memory_space<vmem>>) target_semaphore(%run_scoped3A : memref<!tpu.dma_semaphore, #tpu.memory_space<semaphore_mem>>)
        %dma_wait3A = tpu.memref_slice %arg2[%add3A_8] : memref<819200xf32, #tpu.memory_space<hbm>> -> memref<20480xf32, #tpu.memory_space<hbm>>
        %dma_wait3A_26 = tpu.memref_slice %arg2[%add3A_8] : memref<819200xf32, #tpu.memory_space<hbm>> -> memref<20480xf32, #tpu.memory_space<hbm>>
        tpu.wait_dma2 semaphore(%run_scoped3A : memref<!tpu.dma_semaphore, #tpu.memory_space<semaphore_mem>>) src(%dma_wait3A_26 : memref<20480xf32, #tpu.memory_space<hbm>>) dst(%arg4 : memref<20480xf32, #tpu.memory_space<vmem>>)
        tpu.yield
      }) : () -> ()
      %add3A_9 = arith.constant 20480 : i32
      %add3A_10 = arith.addi %mul3A_6, %add3A_9 : i32
      "tpu.region"() ({
        %run_scoped3A = tpu.sem_alloc : memref<!tpu.dma_semaphore, #tpu.memory_space<semaphore_mem>>
        %dma_start3A = tpu.memref_slice %arg2[%add3A_10] : memref<819200xf32, #tpu.memory_space<hbm>> -> memref<20480xf32, #tpu.memory_space<hbm>>
        %dma_start3A_25 = tpu.memref_slice %arg2[%add3A_10] : memref<819200xf32, #tpu.memory_space<hbm>> -> memref<20480xf32, #tpu.memory_space<hbm>>
        tpu.enqueue_dma source(%dma_start3A_25 : memref<20480xf32, #tpu.memory_space<hbm>>) target(%arg5 : memref<20480xf32, #tpu.memory_space<vmem>>) target_semaphore(%run_scoped3A : memref<!tpu.dma_semaphore, #tpu.memory_space<semaphore_mem>>)
        %dma_wait3A = tpu.memref_slice %arg2[%add3A_10] : memref<819200xf32, #tpu.memory_space<hbm>> -> memref<20480xf32, #tpu.memory_space<hbm>>
        %dma_wait3A_26 = tpu.memref_slice %arg2[%add3A_10] : memref<819200xf32, #tpu.memory_space<hbm>> -> memref<20480xf32, #tpu.memory_space<hbm>>
        tpu.wait_dma2 semaphore(%run_scoped3A : memref<!tpu.dma_semaphore, #tpu.memory_space<semaphore_mem>>) src(%dma_wait3A_26 : memref<20480xf32, #tpu.memory_space<hbm>>) dst(%arg5 : memref<20480xf32, #tpu.memory_space<vmem>>)
        tpu.yield
      }) : () -> ()
      %add3A_11 = arith.constant 40960 : i32
      %add3A_12 = arith.addi %mul3A_6, %add3A_11 : i32
      "tpu.region"() ({
        %run_scoped3A = tpu.sem_alloc : memref<!tpu.dma_semaphore, #tpu.memory_space<semaphore_mem>>
        %dma_start3A = tpu.memref_slice %arg2[%add3A_12] : memref<819200xf32, #tpu.memory_space<hbm>> -> memref<20480xf32, #tpu.memory_space<hbm>>
        %dma_start3A_25 = tpu.memref_slice %arg2[%add3A_12] : memref<819200xf32, #tpu.memory_space<hbm>> -> memref<20480xf32, #tpu.memory_space<hbm>>
        tpu.enqueue_dma source(%dma_start3A_25 : memref<20480xf32, #tpu.memory_space<hbm>>) target(%arg6 : memref<20480xf32, #tpu.memory_space<vmem>>) target_semaphore(%run_scoped3A : memref<!tpu.dma_semaphore, #tpu.memory_space<semaphore_mem>>)
        %dma_wait3A = tpu.memref_slice %arg2[%add3A_12] : memref<819200xf32, #tpu.memory_space<hbm>> -> memref<20480xf32, #tpu.memory_space<hbm>>
        %dma_wait3A_26 = tpu.memref_slice %arg2[%add3A_12] : memref<819200xf32, #tpu.memory_space<hbm>> -> memref<20480xf32, #tpu.memory_space<hbm>>
        tpu.wait_dma2 semaphore(%run_scoped3A : memref<!tpu.dma_semaphore, #tpu.memory_space<semaphore_mem>>) src(%dma_wait3A_26 : memref<20480xf32, #tpu.memory_space<hbm>>) dst(%arg6 : memref<20480xf32, #tpu.memory_space<vmem>>)
        tpu.yield
      }) : () -> ()
      %add3A_13 = arith.constant 61440 : i32
      %add3A_14 = arith.addi %mul3A_6, %add3A_13 : i32
      "tpu.region"() ({
        %run_scoped3A = tpu.sem_alloc : memref<!tpu.dma_semaphore, #tpu.memory_space<semaphore_mem>>
        %dma_start3A = tpu.memref_slice %arg2[%add3A_14] : memref<819200xf32, #tpu.memory_space<hbm>> -> memref<20480xf32, #tpu.memory_space<hbm>>
        %dma_start3A_25 = tpu.memref_slice %arg2[%add3A_14] : memref<819200xf32, #tpu.memory_space<hbm>> -> memref<20480xf32, #tpu.memory_space<hbm>>
        tpu.enqueue_dma source(%dma_start3A_25 : memref<20480xf32, #tpu.memory_space<hbm>>) target(%arg7 : memref<20480xf32, #tpu.memory_space<vmem>>) target_semaphore(%run_scoped3A : memref<!tpu.dma_semaphore, #tpu.memory_space<semaphore_mem>>)
        %dma_wait3A = tpu.memref_slice %arg2[%add3A_14] : memref<819200xf32, #tpu.memory_space<hbm>> -> memref<20480xf32, #tpu.memory_space<hbm>>
        %dma_wait3A_26 = tpu.memref_slice %arg2[%add3A_14] : memref<819200xf32, #tpu.memory_space<hbm>> -> memref<20480xf32, #tpu.memory_space<hbm>>
        tpu.wait_dma2 semaphore(%run_scoped3A : memref<!tpu.dma_semaphore, #tpu.memory_space<semaphore_mem>>) src(%dma_wait3A_26 : memref<20480xf32, #tpu.memory_space<hbm>>) dst(%arg7 : memref<20480xf32, #tpu.memory_space<vmem>>)
        tpu.yield
      }) : () -> ()
      %add3A_15 = arith.constant 81920 : i32
      %add3A_16 = arith.addi %mul3A_6, %add3A_15 : i32
      "tpu.region"() ({
        %run_scoped3A = tpu.sem_alloc : memref<!tpu.dma_semaphore, #tpu.memory_space<semaphore_mem>>
        %dma_start3A = tpu.memref_slice %arg2[%add3A_16] : memref<819200xf32, #tpu.memory_space<hbm>> -> memref<20480xf32, #tpu.memory_space<hbm>>
        %dma_start3A_25 = tpu.memref_slice %arg2[%add3A_16] : memref<819200xf32, #tpu.memory_space<hbm>> -> memref<20480xf32, #tpu.memory_space<hbm>>
        tpu.enqueue_dma source(%dma_start3A_25 : memref<20480xf32, #tpu.memory_space<hbm>>) target(%arg8 : memref<20480xf32, #tpu.memory_space<vmem>>) target_semaphore(%run_scoped3A : memref<!tpu.dma_semaphore, #tpu.memory_space<semaphore_mem>>)
        %dma_wait3A = tpu.memref_slice %arg2[%add3A_16] : memref<819200xf32, #tpu.memory_space<hbm>> -> memref<20480xf32, #tpu.memory_space<hbm>>
        %dma_wait3A_26 = tpu.memref_slice %arg2[%add3A_16] : memref<819200xf32, #tpu.memory_space<hbm>> -> memref<20480xf32, #tpu.memory_space<hbm>>
        tpu.wait_dma2 semaphore(%run_scoped3A : memref<!tpu.dma_semaphore, #tpu.memory_space<semaphore_mem>>) src(%dma_wait3A_26 : memref<20480xf32, #tpu.memory_space<hbm>>) dst(%arg8 : memref<20480xf32, #tpu.memory_space<vmem>>)
        tpu.yield
      }) : () -> ()
      %iota3A = tpu.iota {dimensions = array<i32: 0>} : vector<16xi32>
      %scan3A = arith.constant 0 : i32
      %scan3A_17 = arith.constant 0 : i32
      %scan3A_18 = arith.constant 100 : i32
      %scan3A_19 = arith.addi %scan3A_17, %scan3A_18 : i32
      %scan3A_20 = arith.constant 1 : i32
      %scan3A_21 = scf.for %scan3A_25 = %scan3A_17 to %scan3A_19 step %scan3A_20 iter_args(%scan3A_26 = %scan3A) -> (i32)  : i32 {
        %broadcast_in_dim3A = arith.constant -2.000000e+00 : f32
        %broadcast_in_dim3A_27 = vector.broadcast %broadcast_in_dim3A : f32 to vector<16xf32>
        %broadcast_in_dim3A_28 = arith.constant 0 : i32
        %broadcast_in_dim3A_29 = vector.broadcast %broadcast_in_dim3A_28 : i32 to vector<16xi32>
        %scan3A_30 = arith.constant 0 : i32
        %scan3A_31 = arith.constant 1280 : i32
        %scan3A_32 = arith.addi %scan3A_30, %scan3A_31 : i32
        %scan3A_33 = arith.constant 1 : i32
        %scan3A_34:2 = scf.for %scan3A_305 = %scan3A_30 to %scan3A_32 step %scan3A_33 iter_args(%scan3A_306 = %broadcast_in_dim3A_27, %scan3A_307 = %broadcast_in_dim3A_29) -> (vector<16xf32>, vector<16xi32>)  : i32 {
          %mul3A_308 = arith.constant 16 : i32
          %mul3A_309 = arith.muli %scan3A_305, %mul3A_308 : i32
          %get3A_310 = arith.index_cast %mul3A_309 : i32 to index
          %get3A_311 = tpu.vector_load %arg4[%get3A_310] {strides = array<i32>} : memref<20480xf32, #tpu.memory_space<vmem>>, vector<16xf32>,
          %get3A_312 = vector.shape_cast %get3A_311 : vector<16xf32> to vector<16xf32>
          %gt3A_313 = arith.cmpf ogt, %get3A_312, %scan3A_306 : vector<16xf32>
          %mul3A_314 = arith.constant 16 : i32
          %mul3A_315 = arith.muli %scan3A_305, %mul3A_314 : i32
          %add3A_316 = vector.broadcast %mul3A_315 : i32 to vector<16xi32>
          %add3A_317 = arith.addi %add3A_316, %iota3A : vector<16xi32>
          %select_n3A_318 = arith.select %gt3A_313, %add3A_317, %scan3A_307 : vector<16xi1>, vector<16xi32>
          %select_n3A_319 = arith.select %gt3A_313, %get3A_312, %scan3A_306 : vector<16xi1>, vector<16xf32>
          scf.yield %select_n3A_319, %select_n3A_318 : vector<16xf32>, vector<16xi32>
        }
        %scan3A_35 = arith.constant 1280 : i32
        %xor3A = arith.constant 1 : i32
        %xor3A_36 = vector.broadcast %xor3A : i32 to vector<16xi32>
        %xor3A_37 = arith.xori %iota3A, %xor3A_36 : vector<16xi32>
        %lt3A_38 = arith.constant 0 : i32
        %lt3A_39 = vector.broadcast %lt3A_38 : i32 to vector<16xi32>
        %lt3A_40 = arith.cmpi slt, %xor3A_37, %lt3A_39 : vector<16xi32>
        %add3A_41 = arith.constant 16 : i32
        %add3A_42 = vector.broadcast %add3A_41 : i32 to vector<16xi32>
        %add3A_43 = arith.addi %xor3A_37, %add3A_42 : vector<16xi32>
        %select_n3A = arith.select %lt3A_40, %add3A_43, %xor3A_37 : vector<16xi1>, vector<16xi32>
        %broadcast_in_dim3A_44 = vector.shape_cast %select_n3A : vector<16xi32> to vector<16x1xi32>
        %gather3A = vector.shape_cast %broadcast_in_dim3A_44 : vector<16x1xi32> to vector<16xi32>
        %gather3A_45 = tpu.dynamic_gather %scan3A_34#0[%gather3A] in [0] : vector<16xf32>, vector<16xi32> -> vector<16xf32>
        %max3A = arith.maximumf %scan3A_34#0, %gather3A_45 : vector<16xf32>
        %xor3A_46 = arith.constant 2 : i32
        %xor3A_47 = vector.broadcast %xor3A_46 : i32 to vector<16xi32>
        %xor3A_48 = arith.xori %iota3A, %xor3A_47 : vector<16xi32>
        %lt3A_49 = arith.constant 0 : i32
        %lt3A_50 = vector.broadcast %lt3A_49 : i32 to vector<16xi32>
        %lt3A_51 = arith.cmpi slt, %xor3A_48, %lt3A_50 : vector<16xi32>
        %add3A_52 = arith.constant 16 : i32
        %add3A_53 = vector.broadcast %add3A_52 : i32 to vector<16xi32>
        %add3A_54 = arith.addi %xor3A_48, %add3A_53 : vector<16xi32>
        %select_n3A_55 = arith.select %lt3A_51, %add3A_54, %xor3A_48 : vector<16xi1>, vector<16xi32>
        %broadcast_in_dim3A_56 = vector.shape_cast %select_n3A_55 : vector<16xi32> to vector<16x1xi32>
        %gather3A_57 = vector.shape_cast %broadcast_in_dim3A_56 : vector<16x1xi32> to vector<16xi32>
        %gather3A_58 = tpu.dynamic_gather %max3A[%gather3A_57] in [0] : vector<16xf32>, vector<16xi32> -> vector<16xf32>
        %max3A_59 = arith.maximumf %max3A, %gather3A_58 : vector<16xf32>
        %xor3A_60 = arith.constant 4 : i32
        %xor3A_61 = vector.broadcast %xor3A_60 : i32 to vector<16xi32>
        %xor3A_62 = arith.xori %iota3A, %xor3A_61 : vector<16xi32>
        %lt3A_63 = arith.constant 0 : i32
        %lt3A_64 = vector.broadcast %lt3A_63 : i32 to vector<16xi32>
        %lt3A_65 = arith.cmpi slt, %xor3A_62, %lt3A_64 : vector<16xi32>
        %add3A_66 = arith.constant 16 : i32
        %add3A_67 = vector.broadcast %add3A_66 : i32 to vector<16xi32>
        %add3A_68 = arith.addi %xor3A_62, %add3A_67 : vector<16xi32>
        %select_n3A_69 = arith.select %lt3A_65, %add3A_68, %xor3A_62 : vector<16xi1>, vector<16xi32>
        %broadcast_in_dim3A_70 = vector.shape_cast %select_n3A_69 : vector<16xi32> to vector<16x1xi32>
        %gather3A_71 = vector.shape_cast %broadcast_in_dim3A_70 : vector<16x1xi32> to vector<16xi32>
        %gather3A_72 = tpu.dynamic_gather %max3A_59[%gather3A_71] in [0] : vector<16xf32>, vector<16xi32> -> vector<16xf32>
        %max3A_73 = arith.maximumf %max3A_59, %gather3A_72 : vector<16xf32>
        %xor3A_74 = arith.constant 8 : i32
        %xor3A_75 = vector.broadcast %xor3A_74 : i32 to vector<16xi32>
        %xor3A_76 = arith.xori %iota3A, %xor3A_75 : vector<16xi32>
        %lt3A_77 = arith.constant 0 : i32
        %lt3A_78 = vector.broadcast %lt3A_77 : i32 to vector<16xi32>
        %lt3A_79 = arith.cmpi slt, %xor3A_76, %lt3A_78 : vector<16xi32>
        %add3A_80 = arith.constant 16 : i32
        %add3A_81 = vector.broadcast %add3A_80 : i32 to vector<16xi32>
        %add3A_82 = arith.addi %xor3A_76, %add3A_81 : vector<16xi32>
        %select_n3A_83 = arith.select %lt3A_79, %add3A_82, %xor3A_76 : vector<16xi1>, vector<16xi32>
        %broadcast_in_dim3A_84 = vector.shape_cast %select_n3A_83 : vector<16xi32> to vector<16x1xi32>
        %gather3A_85 = vector.shape_cast %broadcast_in_dim3A_84 : vector<16x1xi32> to vector<16xi32>
        %gather3A_86 = tpu.dynamic_gather %max3A_73[%gather3A_85] in [0] : vector<16xf32>, vector<16xi32> -> vector<16xf32>
        %max3A_87 = arith.maximumf %max3A_73, %gather3A_86 : vector<16xf32>
        %eq3A = arith.cmpf oeq, %scan3A_34#0, %max3A_87 : vector<16xf32>
        %jit3A = arith.constant 20480 : i32
        %broadcast_in_dim3A_88 = vector.broadcast %jit3A : i32 to vector<16xi32>
        %select_n3A_89 = arith.select %eq3A, %scan3A_34#1, %broadcast_in_dim3A_88 : vector<16xi1>, vector<16xi32>
        %xor3A_90 = arith.constant 1 : i32
        %xor3A_91 = vector.broadcast %xor3A_90 : i32 to vector<16xi32>
        %xor3A_92 = arith.xori %iota3A, %xor3A_91 : vector<16xi32>
        %lt3A_93 = arith.constant 0 : i32
        %lt3A_94 = vector.broadcast %lt3A_93 : i32 to vector<16xi32>
        %lt3A_95 = arith.cmpi slt, %xor3A_92, %lt3A_94 : vector<16xi32>
        %add3A_96 = arith.constant 16 : i32
        %add3A_97 = vector.broadcast %add3A_96 : i32 to vector<16xi32>
        %add3A_98 = arith.addi %xor3A_92, %add3A_97 : vector<16xi32>
        %select_n3A_99 = arith.select %lt3A_95, %add3A_98, %xor3A_92 : vector<16xi1>, vector<16xi32>
        %broadcast_in_dim3A_100 = vector.shape_cast %select_n3A_99 : vector<16xi32> to vector<16x1xi32>
        %gather3A_101 = vector.shape_cast %broadcast_in_dim3A_100 : vector<16x1xi32> to vector<16xi32>
        %gather3A_102 = tpu.dynamic_gather %select_n3A_89[%gather3A_101] in [0] : vector<16xi32>, vector<16xi32> -> vector<16xi32>
        %min3A = arith.minsi %select_n3A_89, %gather3A_102 : vector<16xi32>
        %xor3A_103 = arith.constant 2 : i32
        %xor3A_104 = vector.broadcast %xor3A_103 : i32 to vector<16xi32>
        %xor3A_105 = arith.xori %iota3A, %xor3A_104 : vector<16xi32>
        %lt3A_106 = arith.constant 0 : i32
        %lt3A_107 = vector.broadcast %lt3A_106 : i32 to vector<16xi32>
        %lt3A_108 = arith.cmpi slt, %xor3A_105, %lt3A_107 : vector<16xi32>
        %add3A_109 = arith.constant 16 : i32
        %add3A_110 = vector.broadcast %add3A_109 : i32 to vector<16xi32>
        %add3A_111 = arith.addi %xor3A_105, %add3A_110 : vector<16xi32>
        %select_n3A_112 = arith.select %lt3A_108, %add3A_111, %xor3A_105 : vector<16xi1>, vector<16xi32>
        %broadcast_in_dim3A_113 = vector.shape_cast %select_n3A_112 : vector<16xi32> to vector<16x1xi32>
        %gather3A_114 = vector.shape_cast %broadcast_in_dim3A_113 : vector<16x1xi32> to vector<16xi32>
        %gather3A_115 = tpu.dynamic_gather %min3A[%gather3A_114] in [0] : vector<16xi32>, vector<16xi32> -> vector<16xi32>
        %min3A_116 = arith.minsi %min3A, %gather3A_115 : vector<16xi32>
        %xor3A_117 = arith.constant 4 : i32
        %xor3A_118 = vector.broadcast %xor3A_117 : i32 to vector<16xi32>
        %xor3A_119 = arith.xori %iota3A, %xor3A_118 : vector<16xi32>
        %lt3A_120 = arith.constant 0 : i32
        %lt3A_121 = vector.broadcast %lt3A_120 : i32 to vector<16xi32>
        %lt3A_122 = arith.cmpi slt, %xor3A_119, %lt3A_121 : vector<16xi32>
        %add3A_123 = arith.constant 16 : i32
        %add3A_124 = vector.broadcast %add3A_123 : i32 to vector<16xi32>
        %add3A_125 = arith.addi %xor3A_119, %add3A_124 : vector<16xi32>
        %select_n3A_126 = arith.select %lt3A_122, %add3A_125, %xor3A_119 : vector<16xi1>, vector<16xi32>
        %broadcast_in_dim3A_127 = vector.shape_cast %select_n3A_126 : vector<16xi32> to vector<16x1xi32>
        %gather3A_128 = vector.shape_cast %broadcast_in_dim3A_127 : vector<16x1xi32> to vector<16xi32>
        %gather3A_129 = tpu.dynamic_gather %min3A_116[%gather3A_128] in [0] : vector<16xi32>, vector<16xi32> -> vector<16xi32>
        %min3A_130 = arith.minsi %min3A_116, %gather3A_129 : vector<16xi32>
        %xor3A_131 = arith.constant 8 : i32
        %xor3A_132 = vector.broadcast %xor3A_131 : i32 to vector<16xi32>
        %xor3A_133 = arith.xori %iota3A, %xor3A_132 : vector<16xi32>
        %lt3A_134 = arith.constant 0 : i32
        %lt3A_135 = vector.broadcast %lt3A_134 : i32 to vector<16xi32>
        %lt3A_136 = arith.cmpi slt, %xor3A_133, %lt3A_135 : vector<16xi32>
        %add3A_137 = arith.constant 16 : i32
        %add3A_138 = vector.broadcast %add3A_137 : i32 to vector<16xi32>
        %add3A_139 = arith.addi %xor3A_133, %add3A_138 : vector<16xi32>
        %select_n3A_140 = arith.select %lt3A_136, %add3A_139, %xor3A_133 : vector<16xi1>, vector<16xi32>
        %broadcast_in_dim3A_141 = vector.shape_cast %select_n3A_140 : vector<16xi32> to vector<16x1xi32>
        %gather3A_142 = vector.shape_cast %broadcast_in_dim3A_141 : vector<16x1xi32> to vector<16xi32>
        %gather3A_143 = tpu.dynamic_gather %min3A_130[%gather3A_142] in [0] : vector<16xi32>, vector<16xi32> -> vector<16xi32>
        %min3A_144 = arith.minsi %min3A_130, %gather3A_143 : vector<16xi32>
        %min3A_145 = arith.constant 3 : i32
        %min3A_146 = vector.broadcast %min3A_145 : i32 to vector<16xi32>
        %min3A_147 = arith.minsi %iota3A, %min3A_146 : vector<16xi32>
        %add3A_148 = arith.constant 1 : i32
        %add3A_149 = vector.broadcast %add3A_148 : i32 to vector<16xi32>
        %add3A_150 = arith.addi %min3A_147, %add3A_149 : vector<16xi32>
        %mul3A_151 = arith.constant 20480 : i32
        %mul3A_152 = vector.broadcast %mul3A_151 : i32 to vector<16xi32>
        %mul3A_153 = arith.muli %add3A_150, %mul3A_152 : vector<16xi32>
        %add3A_154 = vector.broadcast %mul3A_6 : i32 to vector<16xi32>
        %add3A_155 = arith.addi %add3A_154, %mul3A_153 : vector<16xi32>
        %add3A_156 = arith.addi %add3A_155, %min3A_144 : vector<16xi32>
        "tpu.region"() ({
          %run_scoped3A = tpu.sem_alloc : memref<!tpu.dma_semaphore, #tpu.memory_space<semaphore_mem>>
          %dma_start3A = arith.constant 0 : i32
          %dma_start3A_305 = tpu.memref_slice %arg2[%dma_start3A] : memref<819200xf32, #tpu.memory_space<hbm>> -> memref<819200xf32, #tpu.memory_space<hbm>>
          tpu.enqueue_indirect_dma source(%dma_start3A_305 : memref<819200xf32, #tpu.memory_space<hbm>>) target(%arg9 : memref<16xf32, #tpu.memory_space<vmem>>) offsets(%add3A_156 : vector<16xi32>) semaphore(%run_scoped3A : memref<!tpu.dma_semaphore, #tpu.memory_space<semaphore_mem>>)
          %dma_wait3A = arith.constant 0 : i32
          %dma_wait3A_306 = tpu.memref_slice %arg2[%dma_wait3A] : memref<819200xf32, #tpu.memory_space<hbm>> -> memref<819200xf32, #tpu.memory_space<hbm>>
          tpu.wait_indirect_dma semaphore(%run_scoped3A : memref<!tpu.dma_semaphore, #tpu.memory_space<semaphore_mem>>) src(%dma_wait3A_306 : memref<819200xf32, #tpu.memory_space<hbm>>) dst(%arg9 : memref<16xf32, #tpu.memory_space<vmem>>)
          tpu.yield
        }) : () -> ()
        %get3A = arith.constant 0 : index
        %get3A_157 = tpu.vector_load %arg9[%get3A] {strides = array<i32>} : memref<16xf32, #tpu.memory_space<vmem>>, vector<16xf32>,
        %get3A_158 = vector.shape_cast %get3A_157 : vector<16xf32> to vector<16xf32>
        %mul3A_159 = arith.constant 0 : i32
        %mul3A_160 = vector.broadcast %mul3A_159 : i32 to vector<16xi32>
        %mul3A_161 = arith.muli %iota3A, %mul3A_160 : vector<16xi32>
        %add3A_162 = arith.constant 0 : i32
        %add3A_163 = vector.broadcast %add3A_162 : i32 to vector<16xi32>
        %add3A_164 = arith.addi %mul3A_161, %add3A_163 : vector<16xi32>
        %lt3A_165 = arith.constant 0 : i32
        %lt3A_166 = vector.broadcast %lt3A_165 : i32 to vector<16xi32>
        %lt3A_167 = arith.cmpi slt, %add3A_164, %lt3A_166 : vector<16xi32>
        %add3A_168 = arith.constant 16 : i32
        %add3A_169 = vector.broadcast %add3A_168 : i32 to vector<16xi32>
        %add3A_170 = arith.addi %add3A_164, %add3A_169 : vector<16xi32>
        %select_n3A_171 = arith.select %lt3A_167, %add3A_170, %add3A_164 : vector<16xi1>, vector<16xi32>
        %broadcast_in_dim3A_172 = vector.shape_cast %select_n3A_171 : vector<16xi32> to vector<16x1xi32>
        %gather3A_173 = vector.shape_cast %broadcast_in_dim3A_172 : vector<16x1xi32> to vector<16xi32>
        %gather3A_174 = tpu.dynamic_gather %get3A_158[%gather3A_173] in [0] : vector<16xf32>, vector<16xi32> -> vector<16xf32>
        %mul3A_175 = arith.constant 0 : i32
        %mul3A_176 = vector.broadcast %mul3A_175 : i32 to vector<16xi32>
        %mul3A_177 = arith.muli %iota3A, %mul3A_176 : vector<16xi32>
        %add3A_178 = arith.constant 1 : i32
        %add3A_179 = vector.broadcast %add3A_178 : i32 to vector<16xi32>
        %add3A_180 = arith.addi %mul3A_177, %add3A_179 : vector<16xi32>
        %lt3A_181 = arith.constant 0 : i32
        %lt3A_182 = vector.broadcast %lt3A_181 : i32 to vector<16xi32>
        %lt3A_183 = arith.cmpi slt, %add3A_180, %lt3A_182 : vector<16xi32>
        %add3A_184 = arith.constant 16 : i32
        %add3A_185 = vector.broadcast %add3A_184 : i32 to vector<16xi32>
        %add3A_186 = arith.addi %add3A_180, %add3A_185 : vector<16xi32>
        %select_n3A_187 = arith.select %lt3A_183, %add3A_186, %add3A_180 : vector<16xi1>, vector<16xi32>
        %broadcast_in_dim3A_188 = vector.shape_cast %select_n3A_187 : vector<16xi32> to vector<16x1xi32>
        %gather3A_189 = vector.shape_cast %broadcast_in_dim3A_188 : vector<16x1xi32> to vector<16xi32>
        %gather3A_190 = tpu.dynamic_gather %get3A_158[%gather3A_189] in [0] : vector<16xf32>, vector<16xi32> -> vector<16xf32>
        %mul3A_191 = arith.constant 0 : i32
        %mul3A_192 = vector.broadcast %mul3A_191 : i32 to vector<16xi32>
        %mul3A_193 = arith.muli %iota3A, %mul3A_192 : vector<16xi32>
        %add3A_194 = arith.constant 2 : i32
        %add3A_195 = vector.broadcast %add3A_194 : i32 to vector<16xi32>
        %add3A_196 = arith.addi %mul3A_193, %add3A_195 : vector<16xi32>
        %lt3A_197 = arith.constant 0 : i32
        %lt3A_198 = vector.broadcast %lt3A_197 : i32 to vector<16xi32>
        %lt3A_199 = arith.cmpi slt, %add3A_196, %lt3A_198 : vector<16xi32>
        %add3A_200 = arith.constant 16 : i32
        %add3A_201 = vector.broadcast %add3A_200 : i32 to vector<16xi32>
        %add3A_202 = arith.addi %add3A_196, %add3A_201 : vector<16xi32>
        %select_n3A_203 = arith.select %lt3A_199, %add3A_202, %add3A_196 : vector<16xi1>, vector<16xi32>
        %broadcast_in_dim3A_204 = vector.shape_cast %select_n3A_203 : vector<16xi32> to vector<16x1xi32>
        %gather3A_205 = vector.shape_cast %broadcast_in_dim3A_204 : vector<16x1xi32> to vector<16xi32>
        %gather3A_206 = tpu.dynamic_gather %get3A_158[%gather3A_205] in [0] : vector<16xf32>, vector<16xi32> -> vector<16xf32>
        %mul3A_207 = arith.constant 0 : i32
        %mul3A_208 = vector.broadcast %mul3A_207 : i32 to vector<16xi32>
        %mul3A_209 = arith.muli %iota3A, %mul3A_208 : vector<16xi32>
        %add3A_210 = arith.constant 3 : i32
        %add3A_211 = vector.broadcast %add3A_210 : i32 to vector<16xi32>
        %add3A_212 = arith.addi %mul3A_209, %add3A_211 : vector<16xi32>
        %lt3A_213 = arith.constant 0 : i32
        %lt3A_214 = vector.broadcast %lt3A_213 : i32 to vector<16xi32>
        %lt3A_215 = arith.cmpi slt, %add3A_212, %lt3A_214 : vector<16xi32>
        %add3A_216 = arith.constant 16 : i32
        %add3A_217 = vector.broadcast %add3A_216 : i32 to vector<16xi32>
        %add3A_218 = arith.addi %add3A_212, %add3A_217 : vector<16xi32>
        %select_n3A_219 = arith.select %lt3A_215, %add3A_218, %add3A_212 : vector<16xi1>, vector<16xi32>
        %broadcast_in_dim3A_220 = vector.shape_cast %select_n3A_219 : vector<16xi32> to vector<16x1xi32>
        %gather3A_221 = vector.shape_cast %broadcast_in_dim3A_220 : vector<16x1xi32> to vector<16xi32>
        %gather3A_222 = tpu.dynamic_gather %get3A_158[%gather3A_221] in [0] : vector<16xf32>, vector<16xi32> -> vector<16xf32>
        %sub3A = arith.subf %gather3A_206, %gather3A_174 : vector<16xf32>
        %sub3A_223 = arith.subf %gather3A_222, %gather3A_190 : vector<16xf32>
        %mul3A_224 = arith.mulf %sub3A, %sub3A_223 : vector<16xf32>
        %gt3A = arith.constant 0.000000e+00 : f32
        %gt3A_225 = vector.broadcast %gt3A : f32 to vector<16xf32>
        %gt3A_226 = arith.cmpf ogt, %max3A_87, %gt3A_225 : vector<16xf32>
        %jit3A_227 = arith.constant 1.000000e+00 : f32
        %jit3A_228 = arith.constant 0.000000e+00 : f32
        %broadcast_in_dim3A_229 = vector.broadcast %jit3A_227 : f32 to vector<16xf32>
        %broadcast_in_dim3A_230 = vector.broadcast %jit3A_228 : f32 to vector<16xf32>
        %select_n3A_231 = arith.select %gt3A_226, %broadcast_in_dim3A_229, %broadcast_in_dim3A_230 : vector<16xi1>, vector<16xf32>
        %mul3A_232 = arith.constant 2.44140625E-4 : f32
        %mul3A_233 = vector.broadcast %mul3A_232 : f32 to vector<16xf32>
        %mul3A_234 = arith.mulf %gather3A_174, %mul3A_233 : vector<16xf32>
        %add3A_235 = arith.constant 5.000000e-01 : f32
        %add3A_236 = vector.broadcast %add3A_235 : f32 to vector<16xf32>
        %add3A_237 = arith.addf %mul3A_234, %add3A_236 : vector<16xf32>
        %convert_element_type3A_238 = arith.fptosi %add3A_237 : vector<16xf32> to vector<16xi32>
        %convert_element_type3A_239 = arith.sitofp %convert_element_type3A_238 : vector<16xi32> to vector<16xf32>
        %mul3A_240 = arith.constant 4.096000e+03 : f32
        %mul3A_241 = vector.broadcast %mul3A_240 : f32 to vector<16xf32>
        %mul3A_242 = arith.mulf %convert_element_type3A_239, %mul3A_241 : vector<16xf32>
        %eq3A_243 = arith.constant 0 : i32
        %eq3A_244 = vector.broadcast %eq3A_243 : i32 to vector<16xi32>
        %eq3A_245 = arith.cmpi eq, %iota3A, %eq3A_244 : vector<16xi32>
        %sub3A_246 = arith.subf %gather3A_174, %mul3A_242 : vector<16xf32>
        %jit3A_247 = arith.constant 0.000000e+00 : f32
        %broadcast_in_dim3A_248 = vector.broadcast %jit3A_247 : f32 to vector<16xf32>
        %select_n3A_249 = arith.select %eq3A_245, %sub3A_246, %broadcast_in_dim3A_248 : vector<16xi1>, vector<16xf32>
        %eq3A_250 = arith.constant 1 : i32
        %eq3A_251 = vector.broadcast %eq3A_250 : i32 to vector<16xi32>
        %eq3A_252 = arith.cmpi eq, %iota3A, %eq3A_251 : vector<16xi32>
        %sub3A_253 = arith.subf %gather3A_190, %mul3A_242 : vector<16xf32>
        %jit3A_254 = arith.constant 0.000000e+00 : f32
        %broadcast_in_dim3A_255 = vector.broadcast %jit3A_254 : f32 to vector<16xf32>
        %select_n3A_256 = arith.select %eq3A_252, %sub3A_253, %broadcast_in_dim3A_255 : vector<16xi1>, vector<16xf32>
        %add3A_257 = arith.addf %select_n3A_249, %select_n3A_256 : vector<16xf32>
        %eq3A_258 = arith.constant 2 : i32
        %eq3A_259 = vector.broadcast %eq3A_258 : i32 to vector<16xi32>
        %eq3A_260 = arith.cmpi eq, %iota3A, %eq3A_259 : vector<16xi32>
        %sub3A_261 = arith.subf %gather3A_206, %mul3A_242 : vector<16xf32>
        %jit3A_262 = arith.constant 0.000000e+00 : f32
        %broadcast_in_dim3A_263 = vector.broadcast %jit3A_262 : f32 to vector<16xf32>
        %select_n3A_264 = arith.select %eq3A_260, %sub3A_261, %broadcast_in_dim3A_263 : vector<16xi1>, vector<16xf32>
        %add3A_265 = arith.addf %add3A_257, %select_n3A_264 : vector<16xf32>
        %eq3A_266 = arith.constant 3 : i32
        %eq3A_267 = vector.broadcast %eq3A_266 : i32 to vector<16xi32>
        %eq3A_268 = arith.cmpi eq, %iota3A, %eq3A_267 : vector<16xi32>
        %sub3A_269 = arith.subf %gather3A_222, %mul3A_242 : vector<16xf32>
        %jit3A_270 = arith.constant 0.000000e+00 : f32
        %broadcast_in_dim3A_271 = vector.broadcast %jit3A_270 : f32 to vector<16xf32>
        %select_n3A_272 = arith.select %eq3A_268, %sub3A_269, %broadcast_in_dim3A_271 : vector<16xi1>, vector<16xf32>
        %add3A_273 = arith.addf %add3A_265, %select_n3A_272 : vector<16xf32>
        %eq3A_274 = arith.constant 4 : i32
        %eq3A_275 = vector.broadcast %eq3A_274 : i32 to vector<16xi32>
        %eq3A_276 = arith.cmpi eq, %iota3A, %eq3A_275 : vector<16xi32>
        %max3A_277 = arith.constant 0.000000e+00 : f32
        %max3A_278 = vector.broadcast %max3A_277 : f32 to vector<16xf32>
        %max3A_279 = arith.maximumf %max3A_87, %max3A_278 : vector<16xf32>
        %jit3A_280 = arith.constant 0.000000e+00 : f32
        %broadcast_in_dim3A_281 = vector.broadcast %jit3A_280 : f32 to vector<16xf32>
        %select_n3A_282 = arith.select %eq3A_276, %max3A_279, %broadcast_in_dim3A_281 : vector<16xi1>, vector<16xf32>
        %add3A_283 = arith.addf %add3A_273, %select_n3A_282 : vector<16xf32>
        %eq3A_284 = arith.constant 5 : i32
        %eq3A_285 = vector.broadcast %eq3A_284 : i32 to vector<16xi32>
        %eq3A_286 = arith.cmpi eq, %iota3A, %eq3A_285 : vector<16xi32>
        %jit3A_287 = arith.constant 0.000000e+00 : f32
        %broadcast_in_dim3A_288 = vector.broadcast %jit3A_287 : f32 to vector<16xf32>
        %select_n3A_289 = arith.select %eq3A_286, %convert_element_type3A_239, %broadcast_in_dim3A_288 : vector<16xi1>, vector<16xf32>
        %add3A_290 = arith.addf %add3A_283, %select_n3A_289 : vector<16xf32>
        %mul3A_291 = arith.mulf %add3A_290, %select_n3A_231 : vector<16xf32>
        %mul3A_292 = arith.constant 16 : i32
        %mul3A_293 = arith.muli %scan3A_25, %mul3A_292 : i32
        %swap3A = arith.index_cast %mul3A_293 : i32 to index
        %swap3A_294 = tpu.vector_load %arg10[%swap3A] {strides = array<i32>} : memref<1600xf32, #tpu.memory_space<vmem>>, vector<16xf32>,
        %swap3A_295 = vector.shape_cast %swap3A_294 : vector<16xf32> to vector<16xf32>
        %swap3A_296 = vector.shape_cast %mul3A_291 : vector<16xf32> to vector<16xf32>
        tpu.vector_store %arg10[%swap3A], %swap3A_296 {strides = array<i32>} : memref<1600xf32, #tpu.memory_space<vmem>>, vector<16xf32>,
        %scan3A_297 = arith.constant 0 : i32
        %scan3A_298 = arith.constant 0 : i32
        %scan3A_299 = arith.constant 1280 : i32
        %scan3A_300 = arith.addi %scan3A_298, %scan3A_299 : i32
        %scan3A_301 = arith.constant 1 : i32
        %scan3A_302 = scf.for %scan3A_305 = %scan3A_298 to %scan3A_300 step %scan3A_301 iter_args(%scan3A_306 = %scan3A_297) -> (i32)  : i32 {
          %mul3A_307 = arith.constant 16 : i32
          %mul3A_308 = arith.muli %scan3A_305, %mul3A_307 : i32
          %get3A_309 = arith.index_cast %mul3A_308 : i32 to index
          %get3A_310 = tpu.vector_load %arg5[%get3A_309] {strides = array<i32>} : memref<20480xf32, #tpu.memory_space<vmem>>, vector<16xf32>,
          %get3A_311 = vector.shape_cast %get3A_310 : vector<16xf32> to vector<16xf32>
          %get3A_312 = arith.index_cast %mul3A_308 : i32 to index
          %get3A_313 = tpu.vector_load %arg6[%get3A_312] {strides = array<i32>} : memref<20480xf32, #tpu.memory_space<vmem>>, vector<16xf32>,
          %get3A_314 = vector.shape_cast %get3A_313 : vector<16xf32> to vector<16xf32>
          %get3A_315 = arith.index_cast %mul3A_308 : i32 to index
          %get3A_316 = tpu.vector_load %arg7[%get3A_315] {strides = array<i32>} : memref<20480xf32, #tpu.memory_space<vmem>>, vector<16xf32>,
          %get3A_317 = vector.shape_cast %get3A_316 : vector<16xf32> to vector<16xf32>
          %get3A_318 = arith.index_cast %mul3A_308 : i32 to index
          %get3A_319 = tpu.vector_load %arg8[%get3A_318] {strides = array<i32>} : memref<20480xf32, #tpu.memory_space<vmem>>, vector<16xf32>,
          %get3A_320 = vector.shape_cast %get3A_319 : vector<16xf32> to vector<16xf32>
          %max3A_321 = arith.maximumf %gather3A_174, %get3A_311 : vector<16xf32>
          %max3A_322 = arith.maximumf %gather3A_190, %get3A_314 : vector<16xf32>
          %min3A_323 = arith.minimumf %gather3A_206, %get3A_317 : vector<16xf32>
          %min3A_324 = arith.minimumf %gather3A_222, %get3A_320 : vector<16xf32>
          %sub3A_325 = arith.subf %min3A_323, %max3A_321 : vector<16xf32>
          %max3A_326 = arith.constant 0.000000e+00 : f32
          %max3A_327 = vector.broadcast %max3A_326 : f32 to vector<16xf32>
          %max3A_328 = arith.maximumf %sub3A_325, %max3A_327 : vector<16xf32>
          %sub3A_329 = arith.subf %min3A_324, %max3A_322 : vector<16xf32>
          %max3A_330 = arith.constant 0.000000e+00 : f32
          %max3A_331 = vector.broadcast %max3A_330 : f32 to vector<16xf32>
          %max3A_332 = arith.maximumf %sub3A_329, %max3A_331 : vector<16xf32>
          %mul3A_333 = arith.mulf %max3A_328, %max3A_332 : vector<16xf32>
          %sub3A_334 = arith.subf %get3A_317, %get3A_311 : vector<16xf32>
          %sub3A_335 = arith.subf %get3A_320, %get3A_314 : vector<16xf32>
          %mul3A_336 = arith.mulf %sub3A_334, %sub3A_335 : vector<16xf32>
          %add3A_337 = arith.addf %mul3A_224, %mul3A_336 : vector<16xf32>
          %sub3A_338 = arith.subf %add3A_337, %mul3A_333 : vector<16xf32>
          %add3A_339 = arith.constant 9.99999971E-10 : f32
          %add3A_340 = vector.broadcast %add3A_339 : f32 to vector<16xf32>
          %add3A_341 = arith.addf %sub3A_338, %add3A_340 : vector<16xf32>
          %div3A = arith.divf %mul3A_333, %add3A_341 : vector<16xf32>
          %gt3A_342 = arith.constant 4.500000e-01 : f32
          %gt3A_343 = vector.broadcast %gt3A_342 : f32 to vector<16xf32>
          %gt3A_344 = arith.cmpf ogt, %div3A, %gt3A_343 : vector<16xf32>
          %and3A = arith.andi %gt3A_344, %gt3A_226 : vector<16xi1>
          %mul3A_345 = arith.constant 16 : i32
          %mul3A_346 = arith.muli %scan3A_305, %mul3A_345 : i32
          %add3A_347 = vector.broadcast %mul3A_346 : i32 to vector<16xi32>
          %add3A_348 = arith.addi %add3A_347, %iota3A : vector<16xi32>
          %eq3A_349 = arith.cmpi eq, %add3A_348, %min3A_144 : vector<16xi32>
          %or3A = arith.ori %and3A, %eq3A_349 : vector<16xi1>
          %get3A_350 = arith.index_cast %mul3A_308 : i32 to index
          %get3A_351 = tpu.vector_load %arg4[%get3A_350] {strides = array<i32>} : memref<20480xf32, #tpu.memory_space<vmem>>, vector<16xf32>,
          %get3A_352 = vector.shape_cast %get3A_351 : vector<16xf32> to vector<16xf32>
          %jit3A_353 = arith.constant -1.000000e+00 : f32
          %broadcast_in_dim3A_354 = vector.broadcast %jit3A_353 : f32 to vector<16xf32>
          %select_n3A_355 = arith.select %or3A, %broadcast_in_dim3A_354, %get3A_352 : vector<16xi1>, vector<16xf32>
          %swap3A_356 = arith.index_cast %mul3A_308 : i32 to index
          %swap3A_357 = tpu.vector_load %arg4[%swap3A_356] {strides = array<i32>} : memref<20480xf32, #tpu.memory_space<vmem>>, vector<16xf32>,
          %swap3A_358 = vector.shape_cast %swap3A_357 : vector<16xf32> to vector<16xf32>
          %swap3A_359 = vector.shape_cast %select_n3A_355 : vector<16xf32> to vector<16xf32>
          tpu.vector_store %arg4[%swap3A_356], %swap3A_359 {strides = array<i32>} : memref<20480xf32, #tpu.memory_space<vmem>>, vector<16xf32>,
          %scan3A_360 = arith.constant 0 : i32
          scf.yield %scan3A_360 : i32
        }
        %scan3A_303 = arith.constant 1280 : i32
        %scan3A_304 = arith.constant 0 : i32
        scf.yield %scan3A_304 : i32
      }
      %scan3A_22 = arith.constant 100 : i32
      %mul3A_23 = arith.constant 1600 : i32
      %mul3A_24 = arith.muli %add3A, %mul3A_23 : i32
      "tpu.region"() ({
        %run_scoped3A = tpu.sem_alloc : memref<!tpu.dma_semaphore, #tpu.memory_space<semaphore_mem>>
        %dma_start3A = tpu.memref_slice %arg3[%mul3A_24] : memref<12800xf32, #tpu.memory_space<hbm>> -> memref<1600xf32, #tpu.memory_space<hbm>>
        %dma_start3A_25 = tpu.memref_slice %arg3[%mul3A_24] : memref<12800xf32, #tpu.memory_space<hbm>> -> memref<1600xf32, #tpu.memory_space<hbm>>
        tpu.enqueue_dma source(%arg10 : memref<1600xf32, #tpu.memory_space<vmem>>) target(%dma_start3A_25 : memref<1600xf32, #tpu.memory_space<hbm>>) target_semaphore(%run_scoped3A : memref<!tpu.dma_semaphore, #tpu.memory_space<semaphore_mem>>)
        %dma_wait3A = tpu.memref_slice %arg3[%mul3A_24] : memref<12800xf32, #tpu.memory_space<hbm>> -> memref<1600xf32, #tpu.memory_space<hbm>>
        %dma_wait3A_26 = tpu.memref_slice %arg3[%mul3A_24] : memref<12800xf32, #tpu.memory_space<hbm>> -> memref<1600xf32, #tpu.memory_space<hbm>>
        tpu.wait_dma2 semaphore(%run_scoped3A : memref<!tpu.dma_semaphore, #tpu.memory_space<semaphore_mem>>) src(%arg10 : memref<1600xf32, #tpu.memory_space<vmem>>) dst(%dma_wait3A_26 : memref<1600xf32, #tpu.memory_space<hbm>>)
        tpu.yield
      }) : () -> ()
    } else {
    }
    return
  }
}

module attributes {stable_mosaic.version = 14 : i64} {
  func.func @_decode_body(%arg0: i32, %arg1: memref<1x85x160x128xf32, #tpu.memory_space<vmem>>, %arg2: memref<1x5x160x128xf32, #tpu.memory_space<vmem>>) attributes {dimension_semantics = [#tpu.dimension_semantics<arbitrary>], iteration_bounds = array<i64: 8>, scalar_prefetch = 0 : i64, scratch_operands = 0 : i64, tpu.core_type = #tpu.core_type<tc>, window_params = [{transform_indices = @transform_0, window_bounds = array<i64: 1, 85, 160, 128>}, {transform_indices = @transform_1, window_bounds = array<i64: 1, 5, 160, 128>}]} {
    %get3A = arith.constant 0 : index
    %get3A_0 = arith.constant 0 : index
    %get3A_1 = arith.constant 0 : index
    %get3A_2 = arith.constant 0 : index
    %get3A_3 = vector.load %arg1[%get3A, %get3A_0, %get3A_1, %get3A_2] : memref<1x85x160x128xf32, #tpu.memory_space<vmem>>, vector<1x85x160x128xf32>
    %get3A_4 = vector.shape_cast %get3A_3 : vector<1x85x160x128xf32> to vector<85x160x128xf32>
    %slice3A = vector.extract_strided_slice %get3A_4 {offsets = [4, 0, 0], sizes = [1, 160, 128], strides = [1, 1, 1]} : vector<85x160x128xf32> to vector<1x160x128xf32>
    %squeeze3A = vector.shape_cast %slice3A : vector<1x160x128xf32> to vector<160x128xf32>
    %slice3A_5 = vector.extract_strided_slice %get3A_4 {offsets = [5, 0, 0], sizes = [1, 160, 128], strides = [1, 1, 1]} : vector<85x160x128xf32> to vector<1x160x128xf32>
    %squeeze3A_6 = vector.shape_cast %slice3A_5 : vector<1x160x128xf32> to vector<160x128xf32>
    %mul3A = arith.mulf %squeeze3A_6, %squeeze3A : vector<160x128xf32>
    %slice3A_7 = vector.extract_strided_slice %get3A_4 {offsets = [6, 0, 0], sizes = [1, 160, 128], strides = [1, 1, 1]} : vector<85x160x128xf32> to vector<1x160x128xf32>
    %squeeze3A_8 = vector.shape_cast %slice3A_7 : vector<1x160x128xf32> to vector<160x128xf32>
    %mul3A_9 = arith.mulf %squeeze3A_8, %squeeze3A : vector<160x128xf32>
    %max3A = arith.maximumf %mul3A, %mul3A_9 : vector<160x128xf32>
    %slice3A_10 = vector.extract_strided_slice %get3A_4 {offsets = [7, 0, 0], sizes = [1, 160, 128], strides = [1, 1, 1]} : vector<85x160x128xf32> to vector<1x160x128xf32>
    %squeeze3A_11 = vector.shape_cast %slice3A_10 : vector<1x160x128xf32> to vector<160x128xf32>
    %mul3A_12 = arith.mulf %squeeze3A_11, %squeeze3A : vector<160x128xf32>
    %max3A_13 = arith.maximumf %max3A, %mul3A_12 : vector<160x128xf32>
    %slice3A_14 = vector.extract_strided_slice %get3A_4 {offsets = [8, 0, 0], sizes = [1, 160, 128], strides = [1, 1, 1]} : vector<85x160x128xf32> to vector<1x160x128xf32>
    %squeeze3A_15 = vector.shape_cast %slice3A_14 : vector<1x160x128xf32> to vector<160x128xf32>
    %mul3A_16 = arith.mulf %squeeze3A_15, %squeeze3A : vector<160x128xf32>
    %max3A_17 = arith.maximumf %max3A_13, %mul3A_16 : vector<160x128xf32>
    %slice3A_18 = vector.extract_strided_slice %get3A_4 {offsets = [9, 0, 0], sizes = [1, 160, 128], strides = [1, 1, 1]} : vector<85x160x128xf32> to vector<1x160x128xf32>
    %squeeze3A_19 = vector.shape_cast %slice3A_18 : vector<1x160x128xf32> to vector<160x128xf32>
    %mul3A_20 = arith.mulf %squeeze3A_19, %squeeze3A : vector<160x128xf32>
    %max3A_21 = arith.maximumf %max3A_17, %mul3A_20 : vector<160x128xf32>
    %slice3A_22 = vector.extract_strided_slice %get3A_4 {offsets = [10, 0, 0], sizes = [1, 160, 128], strides = [1, 1, 1]} : vector<85x160x128xf32> to vector<1x160x128xf32>
    %squeeze3A_23 = vector.shape_cast %slice3A_22 : vector<1x160x128xf32> to vector<160x128xf32>
    %mul3A_24 = arith.mulf %squeeze3A_23, %squeeze3A : vector<160x128xf32>
    %max3A_25 = arith.maximumf %max3A_21, %mul3A_24 : vector<160x128xf32>
    %slice3A_26 = vector.extract_strided_slice %get3A_4 {offsets = [11, 0, 0], sizes = [1, 160, 128], strides = [1, 1, 1]} : vector<85x160x128xf32> to vector<1x160x128xf32>
    %squeeze3A_27 = vector.shape_cast %slice3A_26 : vector<1x160x128xf32> to vector<160x128xf32>
    %mul3A_28 = arith.mulf %squeeze3A_27, %squeeze3A : vector<160x128xf32>
    %max3A_29 = arith.maximumf %max3A_25, %mul3A_28 : vector<160x128xf32>
    %slice3A_30 = vector.extract_strided_slice %get3A_4 {offsets = [12, 0, 0], sizes = [1, 160, 128], strides = [1, 1, 1]} : vector<85x160x128xf32> to vector<1x160x128xf32>
    %squeeze3A_31 = vector.shape_cast %slice3A_30 : vector<1x160x128xf32> to vector<160x128xf32>
    %mul3A_32 = arith.mulf %squeeze3A_31, %squeeze3A : vector<160x128xf32>
    %max3A_33 = arith.maximumf %max3A_29, %mul3A_32 : vector<160x128xf32>
    %slice3A_34 = vector.extract_strided_slice %get3A_4 {offsets = [13, 0, 0], sizes = [1, 160, 128], strides = [1, 1, 1]} : vector<85x160x128xf32> to vector<1x160x128xf32>
    %squeeze3A_35 = vector.shape_cast %slice3A_34 : vector<1x160x128xf32> to vector<160x128xf32>
    %mul3A_36 = arith.mulf %squeeze3A_35, %squeeze3A : vector<160x128xf32>
    %max3A_37 = arith.maximumf %max3A_33, %mul3A_36 : vector<160x128xf32>
    %slice3A_38 = vector.extract_strided_slice %get3A_4 {offsets = [14, 0, 0], sizes = [1, 160, 128], strides = [1, 1, 1]} : vector<85x160x128xf32> to vector<1x160x128xf32>
    %squeeze3A_39 = vector.shape_cast %slice3A_38 : vector<1x160x128xf32> to vector<160x128xf32>
    %mul3A_40 = arith.mulf %squeeze3A_39, %squeeze3A : vector<160x128xf32>
    %max3A_41 = arith.maximumf %max3A_37, %mul3A_40 : vector<160x128xf32>
    %slice3A_42 = vector.extract_strided_slice %get3A_4 {offsets = [15, 0, 0], sizes = [1, 160, 128], strides = [1, 1, 1]} : vector<85x160x128xf32> to vector<1x160x128xf32>
    %squeeze3A_43 = vector.shape_cast %slice3A_42 : vector<1x160x128xf32> to vector<160x128xf32>
    %mul3A_44 = arith.mulf %squeeze3A_43, %squeeze3A : vector<160x128xf32>
    %max3A_45 = arith.maximumf %max3A_41, %mul3A_44 : vector<160x128xf32>
    %slice3A_46 = vector.extract_strided_slice %get3A_4 {offsets = [16, 0, 0], sizes = [1, 160, 128], strides = [1, 1, 1]} : vector<85x160x128xf32> to vector<1x160x128xf32>
    %squeeze3A_47 = vector.shape_cast %slice3A_46 : vector<1x160x128xf32> to vector<160x128xf32>
    %mul3A_48 = arith.mulf %squeeze3A_47, %squeeze3A : vector<160x128xf32>
    %max3A_49 = arith.maximumf %max3A_45, %mul3A_48 : vector<160x128xf32>
    %slice3A_50 = vector.extract_strided_slice %get3A_4 {offsets = [17, 0, 0], sizes = [1, 160, 128], strides = [1, 1, 1]} : vector<85x160x128xf32> to vector<1x160x128xf32>
    %squeeze3A_51 = vector.shape_cast %slice3A_50 : vector<1x160x128xf32> to vector<160x128xf32>
    %mul3A_52 = arith.mulf %squeeze3A_51, %squeeze3A : vector<160x128xf32>
    %max3A_53 = arith.maximumf %max3A_49, %mul3A_52 : vector<160x128xf32>
    %slice3A_54 = vector.extract_strided_slice %get3A_4 {offsets = [18, 0, 0], sizes = [1, 160, 128], strides = [1, 1, 1]} : vector<85x160x128xf32> to vector<1x160x128xf32>
    %squeeze3A_55 = vector.shape_cast %slice3A_54 : vector<1x160x128xf32> to vector<160x128xf32>
    %mul3A_56 = arith.mulf %squeeze3A_55, %squeeze3A : vector<160x128xf32>
    %max3A_57 = arith.maximumf %max3A_53, %mul3A_56 : vector<160x128xf32>
    %slice3A_58 = vector.extract_strided_slice %get3A_4 {offsets = [19, 0, 0], sizes = [1, 160, 128], strides = [1, 1, 1]} : vector<85x160x128xf32> to vector<1x160x128xf32>
    %squeeze3A_59 = vector.shape_cast %slice3A_58 : vector<1x160x128xf32> to vector<160x128xf32>
    %mul3A_60 = arith.mulf %squeeze3A_59, %squeeze3A : vector<160x128xf32>
    %max3A_61 = arith.maximumf %max3A_57, %mul3A_60 : vector<160x128xf32>
    %slice3A_62 = vector.extract_strided_slice %get3A_4 {offsets = [20, 0, 0], sizes = [1, 160, 128], strides = [1, 1, 1]} : vector<85x160x128xf32> to vector<1x160x128xf32>
    %squeeze3A_63 = vector.shape_cast %slice3A_62 : vector<1x160x128xf32> to vector<160x128xf32>
    %mul3A_64 = arith.mulf %squeeze3A_63, %squeeze3A : vector<160x128xf32>
    %max3A_65 = arith.maximumf %max3A_61, %mul3A_64 : vector<160x128xf32>
    %slice3A_66 = vector.extract_strided_slice %get3A_4 {offsets = [21, 0, 0], sizes = [1, 160, 128], strides = [1, 1, 1]} : vector<85x160x128xf32> to vector<1x160x128xf32>
    %squeeze3A_67 = vector.shape_cast %slice3A_66 : vector<1x160x128xf32> to vector<160x128xf32>
    %mul3A_68 = arith.mulf %squeeze3A_67, %squeeze3A : vector<160x128xf32>
    %max3A_69 = arith.maximumf %max3A_65, %mul3A_68 : vector<160x128xf32>
    %slice3A_70 = vector.extract_strided_slice %get3A_4 {offsets = [22, 0, 0], sizes = [1, 160, 128], strides = [1, 1, 1]} : vector<85x160x128xf32> to vector<1x160x128xf32>
    %squeeze3A_71 = vector.shape_cast %slice3A_70 : vector<1x160x128xf32> to vector<160x128xf32>
    %mul3A_72 = arith.mulf %squeeze3A_71, %squeeze3A : vector<160x128xf32>
    %max3A_73 = arith.maximumf %max3A_69, %mul3A_72 : vector<160x128xf32>
    %slice3A_74 = vector.extract_strided_slice %get3A_4 {offsets = [23, 0, 0], sizes = [1, 160, 128], strides = [1, 1, 1]} : vector<85x160x128xf32> to vector<1x160x128xf32>
    %squeeze3A_75 = vector.shape_cast %slice3A_74 : vector<1x160x128xf32> to vector<160x128xf32>
    %mul3A_76 = arith.mulf %squeeze3A_75, %squeeze3A : vector<160x128xf32>
    %max3A_77 = arith.maximumf %max3A_73, %mul3A_76 : vector<160x128xf32>
    %slice3A_78 = vector.extract_strided_slice %get3A_4 {offsets = [24, 0, 0], sizes = [1, 160, 128], strides = [1, 1, 1]} : vector<85x160x128xf32> to vector<1x160x128xf32>
    %squeeze3A_79 = vector.shape_cast %slice3A_78 : vector<1x160x128xf32> to vector<160x128xf32>
    %mul3A_80 = arith.mulf %squeeze3A_79, %squeeze3A : vector<160x128xf32>
    %max3A_81 = arith.maximumf %max3A_77, %mul3A_80 : vector<160x128xf32>
    %slice3A_82 = vector.extract_strided_slice %get3A_4 {offsets = [25, 0, 0], sizes = [1, 160, 128], strides = [1, 1, 1]} : vector<85x160x128xf32> to vector<1x160x128xf32>
    %squeeze3A_83 = vector.shape_cast %slice3A_82 : vector<1x160x128xf32> to vector<160x128xf32>
    %mul3A_84 = arith.mulf %squeeze3A_83, %squeeze3A : vector<160x128xf32>
    %max3A_85 = arith.maximumf %max3A_81, %mul3A_84 : vector<160x128xf32>
    %slice3A_86 = vector.extract_strided_slice %get3A_4 {offsets = [26, 0, 0], sizes = [1, 160, 128], strides = [1, 1, 1]} : vector<85x160x128xf32> to vector<1x160x128xf32>
    %squeeze3A_87 = vector.shape_cast %slice3A_86 : vector<1x160x128xf32> to vector<160x128xf32>
    %mul3A_88 = arith.mulf %squeeze3A_87, %squeeze3A : vector<160x128xf32>
    %max3A_89 = arith.maximumf %max3A_85, %mul3A_88 : vector<160x128xf32>
    %slice3A_90 = vector.extract_strided_slice %get3A_4 {offsets = [27, 0, 0], sizes = [1, 160, 128], strides = [1, 1, 1]} : vector<85x160x128xf32> to vector<1x160x128xf32>
    %squeeze3A_91 = vector.shape_cast %slice3A_90 : vector<1x160x128xf32> to vector<160x128xf32>
    %mul3A_92 = arith.mulf %squeeze3A_91, %squeeze3A : vector<160x128xf32>
    %max3A_93 = arith.maximumf %max3A_89, %mul3A_92 : vector<160x128xf32>
    %slice3A_94 = vector.extract_strided_slice %get3A_4 {offsets = [28, 0, 0], sizes = [1, 160, 128], strides = [1, 1, 1]} : vector<85x160x128xf32> to vector<1x160x128xf32>
    %squeeze3A_95 = vector.shape_cast %slice3A_94 : vector<1x160x128xf32> to vector<160x128xf32>
    %mul3A_96 = arith.mulf %squeeze3A_95, %squeeze3A : vector<160x128xf32>
    %max3A_97 = arith.maximumf %max3A_93, %mul3A_96 : vector<160x128xf32>
    %slice3A_98 = vector.extract_strided_slice %get3A_4 {offsets = [29, 0, 0], sizes = [1, 160, 128], strides = [1, 1, 1]} : vector<85x160x128xf32> to vector<1x160x128xf32>
    %squeeze3A_99 = vector.shape_cast %slice3A_98 : vector<1x160x128xf32> to vector<160x128xf32>
    %mul3A_100 = arith.mulf %squeeze3A_99, %squeeze3A : vector<160x128xf32>
    %max3A_101 = arith.maximumf %max3A_97, %mul3A_100 : vector<160x128xf32>
    %slice3A_102 = vector.extract_strided_slice %get3A_4 {offsets = [30, 0, 0], sizes = [1, 160, 128], strides = [1, 1, 1]} : vector<85x160x128xf32> to vector<1x160x128xf32>
    %squeeze3A_103 = vector.shape_cast %slice3A_102 : vector<1x160x128xf32> to vector<160x128xf32>
    %mul3A_104 = arith.mulf %squeeze3A_103, %squeeze3A : vector<160x128xf32>
    %max3A_105 = arith.maximumf %max3A_101, %mul3A_104 : vector<160x128xf32>
    %slice3A_106 = vector.extract_strided_slice %get3A_4 {offsets = [31, 0, 0], sizes = [1, 160, 128], strides = [1, 1, 1]} : vector<85x160x128xf32> to vector<1x160x128xf32>
    %squeeze3A_107 = vector.shape_cast %slice3A_106 : vector<1x160x128xf32> to vector<160x128xf32>
    %mul3A_108 = arith.mulf %squeeze3A_107, %squeeze3A : vector<160x128xf32>
    %max3A_109 = arith.maximumf %max3A_105, %mul3A_108 : vector<160x128xf32>
    %slice3A_110 = vector.extract_strided_slice %get3A_4 {offsets = [32, 0, 0], sizes = [1, 160, 128], strides = [1, 1, 1]} : vector<85x160x128xf32> to vector<1x160x128xf32>
    %squeeze3A_111 = vector.shape_cast %slice3A_110 : vector<1x160x128xf32> to vector<160x128xf32>
    %mul3A_112 = arith.mulf %squeeze3A_111, %squeeze3A : vector<160x128xf32>
    %max3A_113 = arith.maximumf %max3A_109, %mul3A_112 : vector<160x128xf32>
    %slice3A_114 = vector.extract_strided_slice %get3A_4 {offsets = [33, 0, 0], sizes = [1, 160, 128], strides = [1, 1, 1]} : vector<85x160x128xf32> to vector<1x160x128xf32>
    %squeeze3A_115 = vector.shape_cast %slice3A_114 : vector<1x160x128xf32> to vector<160x128xf32>
    %mul3A_116 = arith.mulf %squeeze3A_115, %squeeze3A : vector<160x128xf32>
    %max3A_117 = arith.maximumf %max3A_113, %mul3A_116 : vector<160x128xf32>
    %slice3A_118 = vector.extract_strided_slice %get3A_4 {offsets = [34, 0, 0], sizes = [1, 160, 128], strides = [1, 1, 1]} : vector<85x160x128xf32> to vector<1x160x128xf32>
    %squeeze3A_119 = vector.shape_cast %slice3A_118 : vector<1x160x128xf32> to vector<160x128xf32>
    %mul3A_120 = arith.mulf %squeeze3A_119, %squeeze3A : vector<160x128xf32>
    %max3A_121 = arith.maximumf %max3A_117, %mul3A_120 : vector<160x128xf32>
    %slice3A_122 = vector.extract_strided_slice %get3A_4 {offsets = [35, 0, 0], sizes = [1, 160, 128], strides = [1, 1, 1]} : vector<85x160x128xf32> to vector<1x160x128xf32>
    %squeeze3A_123 = vector.shape_cast %slice3A_122 : vector<1x160x128xf32> to vector<160x128xf32>
    %mul3A_124 = arith.mulf %squeeze3A_123, %squeeze3A : vector<160x128xf32>
    %max3A_125 = arith.maximumf %max3A_121, %mul3A_124 : vector<160x128xf32>
    %slice3A_126 = vector.extract_strided_slice %get3A_4 {offsets = [36, 0, 0], sizes = [1, 160, 128], strides = [1, 1, 1]} : vector<85x160x128xf32> to vector<1x160x128xf32>
    %squeeze3A_127 = vector.shape_cast %slice3A_126 : vector<1x160x128xf32> to vector<160x128xf32>
    %mul3A_128 = arith.mulf %squeeze3A_127, %squeeze3A : vector<160x128xf32>
    %max3A_129 = arith.maximumf %max3A_125, %mul3A_128 : vector<160x128xf32>
    %slice3A_130 = vector.extract_strided_slice %get3A_4 {offsets = [37, 0, 0], sizes = [1, 160, 128], strides = [1, 1, 1]} : vector<85x160x128xf32> to vector<1x160x128xf32>
    %squeeze3A_131 = vector.shape_cast %slice3A_130 : vector<1x160x128xf32> to vector<160x128xf32>
    %mul3A_132 = arith.mulf %squeeze3A_131, %squeeze3A : vector<160x128xf32>
    %max3A_133 = arith.maximumf %max3A_129, %mul3A_132 : vector<160x128xf32>
    %slice3A_134 = vector.extract_strided_slice %get3A_4 {offsets = [38, 0, 0], sizes = [1, 160, 128], strides = [1, 1, 1]} : vector<85x160x128xf32> to vector<1x160x128xf32>
    %squeeze3A_135 = vector.shape_cast %slice3A_134 : vector<1x160x128xf32> to vector<160x128xf32>
    %mul3A_136 = arith.mulf %squeeze3A_135, %squeeze3A : vector<160x128xf32>
    %max3A_137 = arith.maximumf %max3A_133, %mul3A_136 : vector<160x128xf32>
    %slice3A_138 = vector.extract_strided_slice %get3A_4 {offsets = [39, 0, 0], sizes = [1, 160, 128], strides = [1, 1, 1]} : vector<85x160x128xf32> to vector<1x160x128xf32>
    %squeeze3A_139 = vector.shape_cast %slice3A_138 : vector<1x160x128xf32> to vector<160x128xf32>
    %mul3A_140 = arith.mulf %squeeze3A_139, %squeeze3A : vector<160x128xf32>
    %max3A_141 = arith.maximumf %max3A_137, %mul3A_140 : vector<160x128xf32>
    %slice3A_142 = vector.extract_strided_slice %get3A_4 {offsets = [40, 0, 0], sizes = [1, 160, 128], strides = [1, 1, 1]} : vector<85x160x128xf32> to vector<1x160x128xf32>
    %squeeze3A_143 = vector.shape_cast %slice3A_142 : vector<1x160x128xf32> to vector<160x128xf32>
    %mul3A_144 = arith.mulf %squeeze3A_143, %squeeze3A : vector<160x128xf32>
    %max3A_145 = arith.maximumf %max3A_141, %mul3A_144 : vector<160x128xf32>
    %slice3A_146 = vector.extract_strided_slice %get3A_4 {offsets = [41, 0, 0], sizes = [1, 160, 128], strides = [1, 1, 1]} : vector<85x160x128xf32> to vector<1x160x128xf32>
    %squeeze3A_147 = vector.shape_cast %slice3A_146 : vector<1x160x128xf32> to vector<160x128xf32>
    %mul3A_148 = arith.mulf %squeeze3A_147, %squeeze3A : vector<160x128xf32>
    %max3A_149 = arith.maximumf %max3A_145, %mul3A_148 : vector<160x128xf32>
    %slice3A_150 = vector.extract_strided_slice %get3A_4 {offsets = [42, 0, 0], sizes = [1, 160, 128], strides = [1, 1, 1]} : vector<85x160x128xf32> to vector<1x160x128xf32>
    %squeeze3A_151 = vector.shape_cast %slice3A_150 : vector<1x160x128xf32> to vector<160x128xf32>
    %mul3A_152 = arith.mulf %squeeze3A_151, %squeeze3A : vector<160x128xf32>
    %max3A_153 = arith.maximumf %max3A_149, %mul3A_152 : vector<160x128xf32>
    %slice3A_154 = vector.extract_strided_slice %get3A_4 {offsets = [43, 0, 0], sizes = [1, 160, 128], strides = [1, 1, 1]} : vector<85x160x128xf32> to vector<1x160x128xf32>
    %squeeze3A_155 = vector.shape_cast %slice3A_154 : vector<1x160x128xf32> to vector<160x128xf32>
    %mul3A_156 = arith.mulf %squeeze3A_155, %squeeze3A : vector<160x128xf32>
    %max3A_157 = arith.maximumf %max3A_153, %mul3A_156 : vector<160x128xf32>
    %slice3A_158 = vector.extract_strided_slice %get3A_4 {offsets = [44, 0, 0], sizes = [1, 160, 128], strides = [1, 1, 1]} : vector<85x160x128xf32> to vector<1x160x128xf32>
    %squeeze3A_159 = vector.shape_cast %slice3A_158 : vector<1x160x128xf32> to vector<160x128xf32>
    %mul3A_160 = arith.mulf %squeeze3A_159, %squeeze3A : vector<160x128xf32>
    %max3A_161 = arith.maximumf %max3A_157, %mul3A_160 : vector<160x128xf32>
    %slice3A_162 = vector.extract_strided_slice %get3A_4 {offsets = [45, 0, 0], sizes = [1, 160, 128], strides = [1, 1, 1]} : vector<85x160x128xf32> to vector<1x160x128xf32>
    %squeeze3A_163 = vector.shape_cast %slice3A_162 : vector<1x160x128xf32> to vector<160x128xf32>
    %mul3A_164 = arith.mulf %squeeze3A_163, %squeeze3A : vector<160x128xf32>
    %max3A_165 = arith.maximumf %max3A_161, %mul3A_164 : vector<160x128xf32>
    %slice3A_166 = vector.extract_strided_slice %get3A_4 {offsets = [46, 0, 0], sizes = [1, 160, 128], strides = [1, 1, 1]} : vector<85x160x128xf32> to vector<1x160x128xf32>
    %squeeze3A_167 = vector.shape_cast %slice3A_166 : vector<1x160x128xf32> to vector<160x128xf32>
    %mul3A_168 = arith.mulf %squeeze3A_167, %squeeze3A : vector<160x128xf32>
    %max3A_169 = arith.maximumf %max3A_165, %mul3A_168 : vector<160x128xf32>
    %slice3A_170 = vector.extract_strided_slice %get3A_4 {offsets = [47, 0, 0], sizes = [1, 160, 128], strides = [1, 1, 1]} : vector<85x160x128xf32> to vector<1x160x128xf32>
    %squeeze3A_171 = vector.shape_cast %slice3A_170 : vector<1x160x128xf32> to vector<160x128xf32>
    %mul3A_172 = arith.mulf %squeeze3A_171, %squeeze3A : vector<160x128xf32>
    %max3A_173 = arith.maximumf %max3A_169, %mul3A_172 : vector<160x128xf32>
    %slice3A_174 = vector.extract_strided_slice %get3A_4 {offsets = [48, 0, 0], sizes = [1, 160, 128], strides = [1, 1, 1]} : vector<85x160x128xf32> to vector<1x160x128xf32>
    %squeeze3A_175 = vector.shape_cast %slice3A_174 : vector<1x160x128xf32> to vector<160x128xf32>
    %mul3A_176 = arith.mulf %squeeze3A_175, %squeeze3A : vector<160x128xf32>
    %max3A_177 = arith.maximumf %max3A_173, %mul3A_176 : vector<160x128xf32>
    %slice3A_178 = vector.extract_strided_slice %get3A_4 {offsets = [49, 0, 0], sizes = [1, 160, 128], strides = [1, 1, 1]} : vector<85x160x128xf32> to vector<1x160x128xf32>
    %squeeze3A_179 = vector.shape_cast %slice3A_178 : vector<1x160x128xf32> to vector<160x128xf32>
    %mul3A_180 = arith.mulf %squeeze3A_179, %squeeze3A : vector<160x128xf32>
    %max3A_181 = arith.maximumf %max3A_177, %mul3A_180 : vector<160x128xf32>
    %slice3A_182 = vector.extract_strided_slice %get3A_4 {offsets = [50, 0, 0], sizes = [1, 160, 128], strides = [1, 1, 1]} : vector<85x160x128xf32> to vector<1x160x128xf32>
    %squeeze3A_183 = vector.shape_cast %slice3A_182 : vector<1x160x128xf32> to vector<160x128xf32>
    %mul3A_184 = arith.mulf %squeeze3A_183, %squeeze3A : vector<160x128xf32>
    %max3A_185 = arith.maximumf %max3A_181, %mul3A_184 : vector<160x128xf32>
    %slice3A_186 = vector.extract_strided_slice %get3A_4 {offsets = [51, 0, 0], sizes = [1, 160, 128], strides = [1, 1, 1]} : vector<85x160x128xf32> to vector<1x160x128xf32>
    %squeeze3A_187 = vector.shape_cast %slice3A_186 : vector<1x160x128xf32> to vector<160x128xf32>
    %mul3A_188 = arith.mulf %squeeze3A_187, %squeeze3A : vector<160x128xf32>
    %max3A_189 = arith.maximumf %max3A_185, %mul3A_188 : vector<160x128xf32>
    %slice3A_190 = vector.extract_strided_slice %get3A_4 {offsets = [52, 0, 0], sizes = [1, 160, 128], strides = [1, 1, 1]} : vector<85x160x128xf32> to vector<1x160x128xf32>
    %squeeze3A_191 = vector.shape_cast %slice3A_190 : vector<1x160x128xf32> to vector<160x128xf32>
    %mul3A_192 = arith.mulf %squeeze3A_191, %squeeze3A : vector<160x128xf32>
    %max3A_193 = arith.maximumf %max3A_189, %mul3A_192 : vector<160x128xf32>
    %slice3A_194 = vector.extract_strided_slice %get3A_4 {offsets = [53, 0, 0], sizes = [1, 160, 128], strides = [1, 1, 1]} : vector<85x160x128xf32> to vector<1x160x128xf32>
    %squeeze3A_195 = vector.shape_cast %slice3A_194 : vector<1x160x128xf32> to vector<160x128xf32>
    %mul3A_196 = arith.mulf %squeeze3A_195, %squeeze3A : vector<160x128xf32>
    %max3A_197 = arith.maximumf %max3A_193, %mul3A_196 : vector<160x128xf32>
    %slice3A_198 = vector.extract_strided_slice %get3A_4 {offsets = [54, 0, 0], sizes = [1, 160, 128], strides = [1, 1, 1]} : vector<85x160x128xf32> to vector<1x160x128xf32>
    %squeeze3A_199 = vector.shape_cast %slice3A_198 : vector<1x160x128xf32> to vector<160x128xf32>
    %mul3A_200 = arith.mulf %squeeze3A_199, %squeeze3A : vector<160x128xf32>
    %max3A_201 = arith.maximumf %max3A_197, %mul3A_200 : vector<160x128xf32>
    %slice3A_202 = vector.extract_strided_slice %get3A_4 {offsets = [55, 0, 0], sizes = [1, 160, 128], strides = [1, 1, 1]} : vector<85x160x128xf32> to vector<1x160x128xf32>
    %squeeze3A_203 = vector.shape_cast %slice3A_202 : vector<1x160x128xf32> to vector<160x128xf32>
    %mul3A_204 = arith.mulf %squeeze3A_203, %squeeze3A : vector<160x128xf32>
    %max3A_205 = arith.maximumf %max3A_201, %mul3A_204 : vector<160x128xf32>
    %slice3A_206 = vector.extract_strided_slice %get3A_4 {offsets = [56, 0, 0], sizes = [1, 160, 128], strides = [1, 1, 1]} : vector<85x160x128xf32> to vector<1x160x128xf32>
    %squeeze3A_207 = vector.shape_cast %slice3A_206 : vector<1x160x128xf32> to vector<160x128xf32>
    %mul3A_208 = arith.mulf %squeeze3A_207, %squeeze3A : vector<160x128xf32>
    %max3A_209 = arith.maximumf %max3A_205, %mul3A_208 : vector<160x128xf32>
    %slice3A_210 = vector.extract_strided_slice %get3A_4 {offsets = [57, 0, 0], sizes = [1, 160, 128], strides = [1, 1, 1]} : vector<85x160x128xf32> to vector<1x160x128xf32>
    %squeeze3A_211 = vector.shape_cast %slice3A_210 : vector<1x160x128xf32> to vector<160x128xf32>
    %mul3A_212 = arith.mulf %squeeze3A_211, %squeeze3A : vector<160x128xf32>
    %max3A_213 = arith.maximumf %max3A_209, %mul3A_212 : vector<160x128xf32>
    %slice3A_214 = vector.extract_strided_slice %get3A_4 {offsets = [58, 0, 0], sizes = [1, 160, 128], strides = [1, 1, 1]} : vector<85x160x128xf32> to vector<1x160x128xf32>
    %squeeze3A_215 = vector.shape_cast %slice3A_214 : vector<1x160x128xf32> to vector<160x128xf32>
    %mul3A_216 = arith.mulf %squeeze3A_215, %squeeze3A : vector<160x128xf32>
    %max3A_217 = arith.maximumf %max3A_213, %mul3A_216 : vector<160x128xf32>
    %slice3A_218 = vector.extract_strided_slice %get3A_4 {offsets = [59, 0, 0], sizes = [1, 160, 128], strides = [1, 1, 1]} : vector<85x160x128xf32> to vector<1x160x128xf32>
    %squeeze3A_219 = vector.shape_cast %slice3A_218 : vector<1x160x128xf32> to vector<160x128xf32>
    %mul3A_220 = arith.mulf %squeeze3A_219, %squeeze3A : vector<160x128xf32>
    %max3A_221 = arith.maximumf %max3A_217, %mul3A_220 : vector<160x128xf32>
    %slice3A_222 = vector.extract_strided_slice %get3A_4 {offsets = [60, 0, 0], sizes = [1, 160, 128], strides = [1, 1, 1]} : vector<85x160x128xf32> to vector<1x160x128xf32>
    %squeeze3A_223 = vector.shape_cast %slice3A_222 : vector<1x160x128xf32> to vector<160x128xf32>
    %mul3A_224 = arith.mulf %squeeze3A_223, %squeeze3A : vector<160x128xf32>
    %max3A_225 = arith.maximumf %max3A_221, %mul3A_224 : vector<160x128xf32>
    %slice3A_226 = vector.extract_strided_slice %get3A_4 {offsets = [61, 0, 0], sizes = [1, 160, 128], strides = [1, 1, 1]} : vector<85x160x128xf32> to vector<1x160x128xf32>
    %squeeze3A_227 = vector.shape_cast %slice3A_226 : vector<1x160x128xf32> to vector<160x128xf32>
    %mul3A_228 = arith.mulf %squeeze3A_227, %squeeze3A : vector<160x128xf32>
    %max3A_229 = arith.maximumf %max3A_225, %mul3A_228 : vector<160x128xf32>
    %slice3A_230 = vector.extract_strided_slice %get3A_4 {offsets = [62, 0, 0], sizes = [1, 160, 128], strides = [1, 1, 1]} : vector<85x160x128xf32> to vector<1x160x128xf32>
    %squeeze3A_231 = vector.shape_cast %slice3A_230 : vector<1x160x128xf32> to vector<160x128xf32>
    %mul3A_232 = arith.mulf %squeeze3A_231, %squeeze3A : vector<160x128xf32>
    %max3A_233 = arith.maximumf %max3A_229, %mul3A_232 : vector<160x128xf32>
    %slice3A_234 = vector.extract_strided_slice %get3A_4 {offsets = [63, 0, 0], sizes = [1, 160, 128], strides = [1, 1, 1]} : vector<85x160x128xf32> to vector<1x160x128xf32>
    %squeeze3A_235 = vector.shape_cast %slice3A_234 : vector<1x160x128xf32> to vector<160x128xf32>
    %mul3A_236 = arith.mulf %squeeze3A_235, %squeeze3A : vector<160x128xf32>
    %max3A_237 = arith.maximumf %max3A_233, %mul3A_236 : vector<160x128xf32>
    %slice3A_238 = vector.extract_strided_slice %get3A_4 {offsets = [64, 0, 0], sizes = [1, 160, 128], strides = [1, 1, 1]} : vector<85x160x128xf32> to vector<1x160x128xf32>
    %squeeze3A_239 = vector.shape_cast %slice3A_238 : vector<1x160x128xf32> to vector<160x128xf32>
    %mul3A_240 = arith.mulf %squeeze3A_239, %squeeze3A : vector<160x128xf32>
    %max3A_241 = arith.maximumf %max3A_237, %mul3A_240 : vector<160x128xf32>
    %slice3A_242 = vector.extract_strided_slice %get3A_4 {offsets = [65, 0, 0], sizes = [1, 160, 128], strides = [1, 1, 1]} : vector<85x160x128xf32> to vector<1x160x128xf32>
    %squeeze3A_243 = vector.shape_cast %slice3A_242 : vector<1x160x128xf32> to vector<160x128xf32>
    %mul3A_244 = arith.mulf %squeeze3A_243, %squeeze3A : vector<160x128xf32>
    %max3A_245 = arith.maximumf %max3A_241, %mul3A_244 : vector<160x128xf32>
    %slice3A_246 = vector.extract_strided_slice %get3A_4 {offsets = [66, 0, 0], sizes = [1, 160, 128], strides = [1, 1, 1]} : vector<85x160x128xf32> to vector<1x160x128xf32>
    %squeeze3A_247 = vector.shape_cast %slice3A_246 : vector<1x160x128xf32> to vector<160x128xf32>
    %mul3A_248 = arith.mulf %squeeze3A_247, %squeeze3A : vector<160x128xf32>
    %max3A_249 = arith.maximumf %max3A_245, %mul3A_248 : vector<160x128xf32>
    %slice3A_250 = vector.extract_strided_slice %get3A_4 {offsets = [67, 0, 0], sizes = [1, 160, 128], strides = [1, 1, 1]} : vector<85x160x128xf32> to vector<1x160x128xf32>
    %squeeze3A_251 = vector.shape_cast %slice3A_250 : vector<1x160x128xf32> to vector<160x128xf32>
    %mul3A_252 = arith.mulf %squeeze3A_251, %squeeze3A : vector<160x128xf32>
    %max3A_253 = arith.maximumf %max3A_249, %mul3A_252 : vector<160x128xf32>
    %slice3A_254 = vector.extract_strided_slice %get3A_4 {offsets = [68, 0, 0], sizes = [1, 160, 128], strides = [1, 1, 1]} : vector<85x160x128xf32> to vector<1x160x128xf32>
    %squeeze3A_255 = vector.shape_cast %slice3A_254 : vector<1x160x128xf32> to vector<160x128xf32>
    %mul3A_256 = arith.mulf %squeeze3A_255, %squeeze3A : vector<160x128xf32>
    %max3A_257 = arith.maximumf %max3A_253, %mul3A_256 : vector<160x128xf32>
    %slice3A_258 = vector.extract_strided_slice %get3A_4 {offsets = [69, 0, 0], sizes = [1, 160, 128], strides = [1, 1, 1]} : vector<85x160x128xf32> to vector<1x160x128xf32>
    %squeeze3A_259 = vector.shape_cast %slice3A_258 : vector<1x160x128xf32> to vector<160x128xf32>
    %mul3A_260 = arith.mulf %squeeze3A_259, %squeeze3A : vector<160x128xf32>
    %max3A_261 = arith.maximumf %max3A_257, %mul3A_260 : vector<160x128xf32>
    %slice3A_262 = vector.extract_strided_slice %get3A_4 {offsets = [70, 0, 0], sizes = [1, 160, 128], strides = [1, 1, 1]} : vector<85x160x128xf32> to vector<1x160x128xf32>
    %squeeze3A_263 = vector.shape_cast %slice3A_262 : vector<1x160x128xf32> to vector<160x128xf32>
    %mul3A_264 = arith.mulf %squeeze3A_263, %squeeze3A : vector<160x128xf32>
    %max3A_265 = arith.maximumf %max3A_261, %mul3A_264 : vector<160x128xf32>
    %slice3A_266 = vector.extract_strided_slice %get3A_4 {offsets = [71, 0, 0], sizes = [1, 160, 128], strides = [1, 1, 1]} : vector<85x160x128xf32> to vector<1x160x128xf32>
    %squeeze3A_267 = vector.shape_cast %slice3A_266 : vector<1x160x128xf32> to vector<160x128xf32>
    %mul3A_268 = arith.mulf %squeeze3A_267, %squeeze3A : vector<160x128xf32>
    %max3A_269 = arith.maximumf %max3A_265, %mul3A_268 : vector<160x128xf32>
    %slice3A_270 = vector.extract_strided_slice %get3A_4 {offsets = [72, 0, 0], sizes = [1, 160, 128], strides = [1, 1, 1]} : vector<85x160x128xf32> to vector<1x160x128xf32>
    %squeeze3A_271 = vector.shape_cast %slice3A_270 : vector<1x160x128xf32> to vector<160x128xf32>
    %mul3A_272 = arith.mulf %squeeze3A_271, %squeeze3A : vector<160x128xf32>
    %max3A_273 = arith.maximumf %max3A_269, %mul3A_272 : vector<160x128xf32>
    %slice3A_274 = vector.extract_strided_slice %get3A_4 {offsets = [73, 0, 0], sizes = [1, 160, 128], strides = [1, 1, 1]} : vector<85x160x128xf32> to vector<1x160x128xf32>
    %squeeze3A_275 = vector.shape_cast %slice3A_274 : vector<1x160x128xf32> to vector<160x128xf32>
    %mul3A_276 = arith.mulf %squeeze3A_275, %squeeze3A : vector<160x128xf32>
    %max3A_277 = arith.maximumf %max3A_273, %mul3A_276 : vector<160x128xf32>
    %slice3A_278 = vector.extract_strided_slice %get3A_4 {offsets = [74, 0, 0], sizes = [1, 160, 128], strides = [1, 1, 1]} : vector<85x160x128xf32> to vector<1x160x128xf32>
    %squeeze3A_279 = vector.shape_cast %slice3A_278 : vector<1x160x128xf32> to vector<160x128xf32>
    %mul3A_280 = arith.mulf %squeeze3A_279, %squeeze3A : vector<160x128xf32>
    %max3A_281 = arith.maximumf %max3A_277, %mul3A_280 : vector<160x128xf32>
    %slice3A_282 = vector.extract_strided_slice %get3A_4 {offsets = [75, 0, 0], sizes = [1, 160, 128], strides = [1, 1, 1]} : vector<85x160x128xf32> to vector<1x160x128xf32>
    %squeeze3A_283 = vector.shape_cast %slice3A_282 : vector<1x160x128xf32> to vector<160x128xf32>
    %mul3A_284 = arith.mulf %squeeze3A_283, %squeeze3A : vector<160x128xf32>
    %max3A_285 = arith.maximumf %max3A_281, %mul3A_284 : vector<160x128xf32>
    %slice3A_286 = vector.extract_strided_slice %get3A_4 {offsets = [76, 0, 0], sizes = [1, 160, 128], strides = [1, 1, 1]} : vector<85x160x128xf32> to vector<1x160x128xf32>
    %squeeze3A_287 = vector.shape_cast %slice3A_286 : vector<1x160x128xf32> to vector<160x128xf32>
    %mul3A_288 = arith.mulf %squeeze3A_287, %squeeze3A : vector<160x128xf32>
    %max3A_289 = arith.maximumf %max3A_285, %mul3A_288 : vector<160x128xf32>
    %slice3A_290 = vector.extract_strided_slice %get3A_4 {offsets = [77, 0, 0], sizes = [1, 160, 128], strides = [1, 1, 1]} : vector<85x160x128xf32> to vector<1x160x128xf32>
    %squeeze3A_291 = vector.shape_cast %slice3A_290 : vector<1x160x128xf32> to vector<160x128xf32>
    %mul3A_292 = arith.mulf %squeeze3A_291, %squeeze3A : vector<160x128xf32>
    %max3A_293 = arith.maximumf %max3A_289, %mul3A_292 : vector<160x128xf32>
    %slice3A_294 = vector.extract_strided_slice %get3A_4 {offsets = [78, 0, 0], sizes = [1, 160, 128], strides = [1, 1, 1]} : vector<85x160x128xf32> to vector<1x160x128xf32>
    %squeeze3A_295 = vector.shape_cast %slice3A_294 : vector<1x160x128xf32> to vector<160x128xf32>
    %mul3A_296 = arith.mulf %squeeze3A_295, %squeeze3A : vector<160x128xf32>
    %max3A_297 = arith.maximumf %max3A_293, %mul3A_296 : vector<160x128xf32>
    %slice3A_298 = vector.extract_strided_slice %get3A_4 {offsets = [79, 0, 0], sizes = [1, 160, 128], strides = [1, 1, 1]} : vector<85x160x128xf32> to vector<1x160x128xf32>
    %squeeze3A_299 = vector.shape_cast %slice3A_298 : vector<1x160x128xf32> to vector<160x128xf32>
    %mul3A_300 = arith.mulf %squeeze3A_299, %squeeze3A : vector<160x128xf32>
    %max3A_301 = arith.maximumf %max3A_297, %mul3A_300 : vector<160x128xf32>
    %slice3A_302 = vector.extract_strided_slice %get3A_4 {offsets = [80, 0, 0], sizes = [1, 160, 128], strides = [1, 1, 1]} : vector<85x160x128xf32> to vector<1x160x128xf32>
    %squeeze3A_303 = vector.shape_cast %slice3A_302 : vector<1x160x128xf32> to vector<160x128xf32>
    %mul3A_304 = arith.mulf %squeeze3A_303, %squeeze3A : vector<160x128xf32>
    %max3A_305 = arith.maximumf %max3A_301, %mul3A_304 : vector<160x128xf32>
    %slice3A_306 = vector.extract_strided_slice %get3A_4 {offsets = [81, 0, 0], sizes = [1, 160, 128], strides = [1, 1, 1]} : vector<85x160x128xf32> to vector<1x160x128xf32>
    %squeeze3A_307 = vector.shape_cast %slice3A_306 : vector<1x160x128xf32> to vector<160x128xf32>
    %mul3A_308 = arith.mulf %squeeze3A_307, %squeeze3A : vector<160x128xf32>
    %max3A_309 = arith.maximumf %max3A_305, %mul3A_308 : vector<160x128xf32>
    %slice3A_310 = vector.extract_strided_slice %get3A_4 {offsets = [82, 0, 0], sizes = [1, 160, 128], strides = [1, 1, 1]} : vector<85x160x128xf32> to vector<1x160x128xf32>
    %squeeze3A_311 = vector.shape_cast %slice3A_310 : vector<1x160x128xf32> to vector<160x128xf32>
    %mul3A_312 = arith.mulf %squeeze3A_311, %squeeze3A : vector<160x128xf32>
    %max3A_313 = arith.maximumf %max3A_309, %mul3A_312 : vector<160x128xf32>
    %slice3A_314 = vector.extract_strided_slice %get3A_4 {offsets = [83, 0, 0], sizes = [1, 160, 128], strides = [1, 1, 1]} : vector<85x160x128xf32> to vector<1x160x128xf32>
    %squeeze3A_315 = vector.shape_cast %slice3A_314 : vector<1x160x128xf32> to vector<160x128xf32>
    %mul3A_316 = arith.mulf %squeeze3A_315, %squeeze3A : vector<160x128xf32>
    %max3A_317 = arith.maximumf %max3A_313, %mul3A_316 : vector<160x128xf32>
    %slice3A_318 = vector.extract_strided_slice %get3A_4 {offsets = [84, 0, 0], sizes = [1, 160, 128], strides = [1, 1, 1]} : vector<85x160x128xf32> to vector<1x160x128xf32>
    %squeeze3A_319 = vector.shape_cast %slice3A_318 : vector<1x160x128xf32> to vector<160x128xf32>
    %mul3A_320 = arith.mulf %squeeze3A_319, %squeeze3A : vector<160x128xf32>
    %max3A_321 = arith.maximumf %max3A_317, %mul3A_320 : vector<160x128xf32>
    %broadcast_in_dim3A = arith.constant 0 : i32
    %broadcast_in_dim3A_322 = vector.broadcast %broadcast_in_dim3A : i32 to vector<160x128xi32>
    %slice3A_323 = vector.extract_strided_slice %get3A_4 {offsets = [84, 0, 0], sizes = [1, 160, 128], strides = [1, 1, 1]} : vector<85x160x128xf32> to vector<1x160x128xf32>
    %squeeze3A_324 = vector.shape_cast %slice3A_323 : vector<1x160x128xf32> to vector<160x128xf32>
    %mul3A_325 = arith.mulf %squeeze3A_324, %squeeze3A : vector<160x128xf32>
    %eq3A = arith.cmpf oeq, %mul3A_325, %max3A_321 : vector<160x128xf32>
    %jit3A = arith.constant 79 : i32
    %broadcast_in_dim3A_326 = vector.broadcast %jit3A : i32 to vector<160x128xi32>
    %select_n3A = arith.select %eq3A, %broadcast_in_dim3A_326, %broadcast_in_dim3A_322 : vector<160x128xi1>, vector<160x128xi32>
    %slice3A_327 = vector.extract_strided_slice %get3A_4 {offsets = [83, 0, 0], sizes = [1, 160, 128], strides = [1, 1, 1]} : vector<85x160x128xf32> to vector<1x160x128xf32>
    %squeeze3A_328 = vector.shape_cast %slice3A_327 : vector<1x160x128xf32> to vector<160x128xf32>
    %mul3A_329 = arith.mulf %squeeze3A_328, %squeeze3A : vector<160x128xf32>
    %eq3A_330 = arith.cmpf oeq, %mul3A_329, %max3A_321 : vector<160x128xf32>
    %jit3A_331 = arith.constant 78 : i32
    %broadcast_in_dim3A_332 = vector.broadcast %jit3A_331 : i32 to vector<160x128xi32>
    %select_n3A_333 = arith.select %eq3A_330, %broadcast_in_dim3A_332, %select_n3A : vector<160x128xi1>, vector<160x128xi32>
    %slice3A_334 = vector.extract_strided_slice %get3A_4 {offsets = [82, 0, 0], sizes = [1, 160, 128], strides = [1, 1, 1]} : vector<85x160x128xf32> to vector<1x160x128xf32>
    %squeeze3A_335 = vector.shape_cast %slice3A_334 : vector<1x160x128xf32> to vector<160x128xf32>
    %mul3A_336 = arith.mulf %squeeze3A_335, %squeeze3A : vector<160x128xf32>
    %eq3A_337 = arith.cmpf oeq, %mul3A_336, %max3A_321 : vector<160x128xf32>
    %jit3A_338 = arith.constant 77 : i32
    %broadcast_in_dim3A_339 = vector.broadcast %jit3A_338 : i32 to vector<160x128xi32>
    %select_n3A_340 = arith.select %eq3A_337, %broadcast_in_dim3A_339, %select_n3A_333 : vector<160x128xi1>, vector<160x128xi32>
    %slice3A_341 = vector.extract_strided_slice %get3A_4 {offsets = [81, 0, 0], sizes = [1, 160, 128], strides = [1, 1, 1]} : vector<85x160x128xf32> to vector<1x160x128xf32>
    %squeeze3A_342 = vector.shape_cast %slice3A_341 : vector<1x160x128xf32> to vector<160x128xf32>
    %mul3A_343 = arith.mulf %squeeze3A_342, %squeeze3A : vector<160x128xf32>
    %eq3A_344 = arith.cmpf oeq, %mul3A_343, %max3A_321 : vector<160x128xf32>
    %jit3A_345 = arith.constant 76 : i32
    %broadcast_in_dim3A_346 = vector.broadcast %jit3A_345 : i32 to vector<160x128xi32>
    %select_n3A_347 = arith.select %eq3A_344, %broadcast_in_dim3A_346, %select_n3A_340 : vector<160x128xi1>, vector<160x128xi32>
    %slice3A_348 = vector.extract_strided_slice %get3A_4 {offsets = [80, 0, 0], sizes = [1, 160, 128], strides = [1, 1, 1]} : vector<85x160x128xf32> to vector<1x160x128xf32>
    %squeeze3A_349 = vector.shape_cast %slice3A_348 : vector<1x160x128xf32> to vector<160x128xf32>
    %mul3A_350 = arith.mulf %squeeze3A_349, %squeeze3A : vector<160x128xf32>
    %eq3A_351 = arith.cmpf oeq, %mul3A_350, %max3A_321 : vector<160x128xf32>
    %jit3A_352 = arith.constant 75 : i32
    %broadcast_in_dim3A_353 = vector.broadcast %jit3A_352 : i32 to vector<160x128xi32>
    %select_n3A_354 = arith.select %eq3A_351, %broadcast_in_dim3A_353, %select_n3A_347 : vector<160x128xi1>, vector<160x128xi32>
    %slice3A_355 = vector.extract_strided_slice %get3A_4 {offsets = [79, 0, 0], sizes = [1, 160, 128], strides = [1, 1, 1]} : vector<85x160x128xf32> to vector<1x160x128xf32>
    %squeeze3A_356 = vector.shape_cast %slice3A_355 : vector<1x160x128xf32> to vector<160x128xf32>
    %mul3A_357 = arith.mulf %squeeze3A_356, %squeeze3A : vector<160x128xf32>
    %eq3A_358 = arith.cmpf oeq, %mul3A_357, %max3A_321 : vector<160x128xf32>
    %jit3A_359 = arith.constant 74 : i32
    %broadcast_in_dim3A_360 = vector.broadcast %jit3A_359 : i32 to vector<160x128xi32>
    %select_n3A_361 = arith.select %eq3A_358, %broadcast_in_dim3A_360, %select_n3A_354 : vector<160x128xi1>, vector<160x128xi32>
    %slice3A_362 = vector.extract_strided_slice %get3A_4 {offsets = [78, 0, 0], sizes = [1, 160, 128], strides = [1, 1, 1]} : vector<85x160x128xf32> to vector<1x160x128xf32>
    %squeeze3A_363 = vector.shape_cast %slice3A_362 : vector<1x160x128xf32> to vector<160x128xf32>
    %mul3A_364 = arith.mulf %squeeze3A_363, %squeeze3A : vector<160x128xf32>
    %eq3A_365 = arith.cmpf oeq, %mul3A_364, %max3A_321 : vector<160x128xf32>
    %jit3A_366 = arith.constant 73 : i32
    %broadcast_in_dim3A_367 = vector.broadcast %jit3A_366 : i32 to vector<160x128xi32>
    %select_n3A_368 = arith.select %eq3A_365, %broadcast_in_dim3A_367, %select_n3A_361 : vector<160x128xi1>, vector<160x128xi32>
    %slice3A_369 = vector.extract_strided_slice %get3A_4 {offsets = [77, 0, 0], sizes = [1, 160, 128], strides = [1, 1, 1]} : vector<85x160x128xf32> to vector<1x160x128xf32>
    %squeeze3A_370 = vector.shape_cast %slice3A_369 : vector<1x160x128xf32> to vector<160x128xf32>
    %mul3A_371 = arith.mulf %squeeze3A_370, %squeeze3A : vector<160x128xf32>
    %eq3A_372 = arith.cmpf oeq, %mul3A_371, %max3A_321 : vector<160x128xf32>
    %jit3A_373 = arith.constant 72 : i32
    %broadcast_in_dim3A_374 = vector.broadcast %jit3A_373 : i32 to vector<160x128xi32>
    %select_n3A_375 = arith.select %eq3A_372, %broadcast_in_dim3A_374, %select_n3A_368 : vector<160x128xi1>, vector<160x128xi32>
    %slice3A_376 = vector.extract_strided_slice %get3A_4 {offsets = [76, 0, 0], sizes = [1, 160, 128], strides = [1, 1, 1]} : vector<85x160x128xf32> to vector<1x160x128xf32>
    %squeeze3A_377 = vector.shape_cast %slice3A_376 : vector<1x160x128xf32> to vector<160x128xf32>
    %mul3A_378 = arith.mulf %squeeze3A_377, %squeeze3A : vector<160x128xf32>
    %eq3A_379 = arith.cmpf oeq, %mul3A_378, %max3A_321 : vector<160x128xf32>
    %jit3A_380 = arith.constant 71 : i32
    %broadcast_in_dim3A_381 = vector.broadcast %jit3A_380 : i32 to vector<160x128xi32>
    %select_n3A_382 = arith.select %eq3A_379, %broadcast_in_dim3A_381, %select_n3A_375 : vector<160x128xi1>, vector<160x128xi32>
    %slice3A_383 = vector.extract_strided_slice %get3A_4 {offsets = [75, 0, 0], sizes = [1, 160, 128], strides = [1, 1, 1]} : vector<85x160x128xf32> to vector<1x160x128xf32>
    %squeeze3A_384 = vector.shape_cast %slice3A_383 : vector<1x160x128xf32> to vector<160x128xf32>
    %mul3A_385 = arith.mulf %squeeze3A_384, %squeeze3A : vector<160x128xf32>
    %eq3A_386 = arith.cmpf oeq, %mul3A_385, %max3A_321 : vector<160x128xf32>
    %jit3A_387 = arith.constant 70 : i32
    %broadcast_in_dim3A_388 = vector.broadcast %jit3A_387 : i32 to vector<160x128xi32>
    %select_n3A_389 = arith.select %eq3A_386, %broadcast_in_dim3A_388, %select_n3A_382 : vector<160x128xi1>, vector<160x128xi32>
    %slice3A_390 = vector.extract_strided_slice %get3A_4 {offsets = [74, 0, 0], sizes = [1, 160, 128], strides = [1, 1, 1]} : vector<85x160x128xf32> to vector<1x160x128xf32>
    %squeeze3A_391 = vector.shape_cast %slice3A_390 : vector<1x160x128xf32> to vector<160x128xf32>
    %mul3A_392 = arith.mulf %squeeze3A_391, %squeeze3A : vector<160x128xf32>
    %eq3A_393 = arith.cmpf oeq, %mul3A_392, %max3A_321 : vector<160x128xf32>
    %jit3A_394 = arith.constant 69 : i32
    %broadcast_in_dim3A_395 = vector.broadcast %jit3A_394 : i32 to vector<160x128xi32>
    %select_n3A_396 = arith.select %eq3A_393, %broadcast_in_dim3A_395, %select_n3A_389 : vector<160x128xi1>, vector<160x128xi32>
    %slice3A_397 = vector.extract_strided_slice %get3A_4 {offsets = [73, 0, 0], sizes = [1, 160, 128], strides = [1, 1, 1]} : vector<85x160x128xf32> to vector<1x160x128xf32>
    %squeeze3A_398 = vector.shape_cast %slice3A_397 : vector<1x160x128xf32> to vector<160x128xf32>
    %mul3A_399 = arith.mulf %squeeze3A_398, %squeeze3A : vector<160x128xf32>
    %eq3A_400 = arith.cmpf oeq, %mul3A_399, %max3A_321 : vector<160x128xf32>
    %jit3A_401 = arith.constant 68 : i32
    %broadcast_in_dim3A_402 = vector.broadcast %jit3A_401 : i32 to vector<160x128xi32>
    %select_n3A_403 = arith.select %eq3A_400, %broadcast_in_dim3A_402, %select_n3A_396 : vector<160x128xi1>, vector<160x128xi32>
    %slice3A_404 = vector.extract_strided_slice %get3A_4 {offsets = [72, 0, 0], sizes = [1, 160, 128], strides = [1, 1, 1]} : vector<85x160x128xf32> to vector<1x160x128xf32>
    %squeeze3A_405 = vector.shape_cast %slice3A_404 : vector<1x160x128xf32> to vector<160x128xf32>
    %mul3A_406 = arith.mulf %squeeze3A_405, %squeeze3A : vector<160x128xf32>
    %eq3A_407 = arith.cmpf oeq, %mul3A_406, %max3A_321 : vector<160x128xf32>
    %jit3A_408 = arith.constant 67 : i32
    %broadcast_in_dim3A_409 = vector.broadcast %jit3A_408 : i32 to vector<160x128xi32>
    %select_n3A_410 = arith.select %eq3A_407, %broadcast_in_dim3A_409, %select_n3A_403 : vector<160x128xi1>, vector<160x128xi32>
    %slice3A_411 = vector.extract_strided_slice %get3A_4 {offsets = [71, 0, 0], sizes = [1, 160, 128], strides = [1, 1, 1]} : vector<85x160x128xf32> to vector<1x160x128xf32>
    %squeeze3A_412 = vector.shape_cast %slice3A_411 : vector<1x160x128xf32> to vector<160x128xf32>
    %mul3A_413 = arith.mulf %squeeze3A_412, %squeeze3A : vector<160x128xf32>
    %eq3A_414 = arith.cmpf oeq, %mul3A_413, %max3A_321 : vector<160x128xf32>
    %jit3A_415 = arith.constant 66 : i32
    %broadcast_in_dim3A_416 = vector.broadcast %jit3A_415 : i32 to vector<160x128xi32>
    %select_n3A_417 = arith.select %eq3A_414, %broadcast_in_dim3A_416, %select_n3A_410 : vector<160x128xi1>, vector<160x128xi32>
    %slice3A_418 = vector.extract_strided_slice %get3A_4 {offsets = [70, 0, 0], sizes = [1, 160, 128], strides = [1, 1, 1]} : vector<85x160x128xf32> to vector<1x160x128xf32>
    %squeeze3A_419 = vector.shape_cast %slice3A_418 : vector<1x160x128xf32> to vector<160x128xf32>
    %mul3A_420 = arith.mulf %squeeze3A_419, %squeeze3A : vector<160x128xf32>
    %eq3A_421 = arith.cmpf oeq, %mul3A_420, %max3A_321 : vector<160x128xf32>
    %jit3A_422 = arith.constant 65 : i32
    %broadcast_in_dim3A_423 = vector.broadcast %jit3A_422 : i32 to vector<160x128xi32>
    %select_n3A_424 = arith.select %eq3A_421, %broadcast_in_dim3A_423, %select_n3A_417 : vector<160x128xi1>, vector<160x128xi32>
    %slice3A_425 = vector.extract_strided_slice %get3A_4 {offsets = [69, 0, 0], sizes = [1, 160, 128], strides = [1, 1, 1]} : vector<85x160x128xf32> to vector<1x160x128xf32>
    %squeeze3A_426 = vector.shape_cast %slice3A_425 : vector<1x160x128xf32> to vector<160x128xf32>
    %mul3A_427 = arith.mulf %squeeze3A_426, %squeeze3A : vector<160x128xf32>
    %eq3A_428 = arith.cmpf oeq, %mul3A_427, %max3A_321 : vector<160x128xf32>
    %jit3A_429 = arith.constant 64 : i32
    %broadcast_in_dim3A_430 = vector.broadcast %jit3A_429 : i32 to vector<160x128xi32>
    %select_n3A_431 = arith.select %eq3A_428, %broadcast_in_dim3A_430, %select_n3A_424 : vector<160x128xi1>, vector<160x128xi32>
    %slice3A_432 = vector.extract_strided_slice %get3A_4 {offsets = [68, 0, 0], sizes = [1, 160, 128], strides = [1, 1, 1]} : vector<85x160x128xf32> to vector<1x160x128xf32>
    %squeeze3A_433 = vector.shape_cast %slice3A_432 : vector<1x160x128xf32> to vector<160x128xf32>
    %mul3A_434 = arith.mulf %squeeze3A_433, %squeeze3A : vector<160x128xf32>
    %eq3A_435 = arith.cmpf oeq, %mul3A_434, %max3A_321 : vector<160x128xf32>
    %jit3A_436 = arith.constant 63 : i32
    %broadcast_in_dim3A_437 = vector.broadcast %jit3A_436 : i32 to vector<160x128xi32>
    %select_n3A_438 = arith.select %eq3A_435, %broadcast_in_dim3A_437, %select_n3A_431 : vector<160x128xi1>, vector<160x128xi32>
    %slice3A_439 = vector.extract_strided_slice %get3A_4 {offsets = [67, 0, 0], sizes = [1, 160, 128], strides = [1, 1, 1]} : vector<85x160x128xf32> to vector<1x160x128xf32>
    %squeeze3A_440 = vector.shape_cast %slice3A_439 : vector<1x160x128xf32> to vector<160x128xf32>
    %mul3A_441 = arith.mulf %squeeze3A_440, %squeeze3A : vector<160x128xf32>
    %eq3A_442 = arith.cmpf oeq, %mul3A_441, %max3A_321 : vector<160x128xf32>
    %jit3A_443 = arith.constant 62 : i32
    %broadcast_in_dim3A_444 = vector.broadcast %jit3A_443 : i32 to vector<160x128xi32>
    %select_n3A_445 = arith.select %eq3A_442, %broadcast_in_dim3A_444, %select_n3A_438 : vector<160x128xi1>, vector<160x128xi32>
    %slice3A_446 = vector.extract_strided_slice %get3A_4 {offsets = [66, 0, 0], sizes = [1, 160, 128], strides = [1, 1, 1]} : vector<85x160x128xf32> to vector<1x160x128xf32>
    %squeeze3A_447 = vector.shape_cast %slice3A_446 : vector<1x160x128xf32> to vector<160x128xf32>
    %mul3A_448 = arith.mulf %squeeze3A_447, %squeeze3A : vector<160x128xf32>
    %eq3A_449 = arith.cmpf oeq, %mul3A_448, %max3A_321 : vector<160x128xf32>
    %jit3A_450 = arith.constant 61 : i32
    %broadcast_in_dim3A_451 = vector.broadcast %jit3A_450 : i32 to vector<160x128xi32>
    %select_n3A_452 = arith.select %eq3A_449, %broadcast_in_dim3A_451, %select_n3A_445 : vector<160x128xi1>, vector<160x128xi32>
    %slice3A_453 = vector.extract_strided_slice %get3A_4 {offsets = [65, 0, 0], sizes = [1, 160, 128], strides = [1, 1, 1]} : vector<85x160x128xf32> to vector<1x160x128xf32>
    %squeeze3A_454 = vector.shape_cast %slice3A_453 : vector<1x160x128xf32> to vector<160x128xf32>
    %mul3A_455 = arith.mulf %squeeze3A_454, %squeeze3A : vector<160x128xf32>
    %eq3A_456 = arith.cmpf oeq, %mul3A_455, %max3A_321 : vector<160x128xf32>
    %jit3A_457 = arith.constant 60 : i32
    %broadcast_in_dim3A_458 = vector.broadcast %jit3A_457 : i32 to vector<160x128xi32>
    %select_n3A_459 = arith.select %eq3A_456, %broadcast_in_dim3A_458, %select_n3A_452 : vector<160x128xi1>, vector<160x128xi32>
    %slice3A_460 = vector.extract_strided_slice %get3A_4 {offsets = [64, 0, 0], sizes = [1, 160, 128], strides = [1, 1, 1]} : vector<85x160x128xf32> to vector<1x160x128xf32>
    %squeeze3A_461 = vector.shape_cast %slice3A_460 : vector<1x160x128xf32> to vector<160x128xf32>
    %mul3A_462 = arith.mulf %squeeze3A_461, %squeeze3A : vector<160x128xf32>
    %eq3A_463 = arith.cmpf oeq, %mul3A_462, %max3A_321 : vector<160x128xf32>
    %jit3A_464 = arith.constant 59 : i32
    %broadcast_in_dim3A_465 = vector.broadcast %jit3A_464 : i32 to vector<160x128xi32>
    %select_n3A_466 = arith.select %eq3A_463, %broadcast_in_dim3A_465, %select_n3A_459 : vector<160x128xi1>, vector<160x128xi32>
    %slice3A_467 = vector.extract_strided_slice %get3A_4 {offsets = [63, 0, 0], sizes = [1, 160, 128], strides = [1, 1, 1]} : vector<85x160x128xf32> to vector<1x160x128xf32>
    %squeeze3A_468 = vector.shape_cast %slice3A_467 : vector<1x160x128xf32> to vector<160x128xf32>
    %mul3A_469 = arith.mulf %squeeze3A_468, %squeeze3A : vector<160x128xf32>
    %eq3A_470 = arith.cmpf oeq, %mul3A_469, %max3A_321 : vector<160x128xf32>
    %jit3A_471 = arith.constant 58 : i32
    %broadcast_in_dim3A_472 = vector.broadcast %jit3A_471 : i32 to vector<160x128xi32>
    %select_n3A_473 = arith.select %eq3A_470, %broadcast_in_dim3A_472, %select_n3A_466 : vector<160x128xi1>, vector<160x128xi32>
    %slice3A_474 = vector.extract_strided_slice %get3A_4 {offsets = [62, 0, 0], sizes = [1, 160, 128], strides = [1, 1, 1]} : vector<85x160x128xf32> to vector<1x160x128xf32>
    %squeeze3A_475 = vector.shape_cast %slice3A_474 : vector<1x160x128xf32> to vector<160x128xf32>
    %mul3A_476 = arith.mulf %squeeze3A_475, %squeeze3A : vector<160x128xf32>
    %eq3A_477 = arith.cmpf oeq, %mul3A_476, %max3A_321 : vector<160x128xf32>
    %jit3A_478 = arith.constant 57 : i32
    %broadcast_in_dim3A_479 = vector.broadcast %jit3A_478 : i32 to vector<160x128xi32>
    %select_n3A_480 = arith.select %eq3A_477, %broadcast_in_dim3A_479, %select_n3A_473 : vector<160x128xi1>, vector<160x128xi32>
    %slice3A_481 = vector.extract_strided_slice %get3A_4 {offsets = [61, 0, 0], sizes = [1, 160, 128], strides = [1, 1, 1]} : vector<85x160x128xf32> to vector<1x160x128xf32>
    %squeeze3A_482 = vector.shape_cast %slice3A_481 : vector<1x160x128xf32> to vector<160x128xf32>
    %mul3A_483 = arith.mulf %squeeze3A_482, %squeeze3A : vector<160x128xf32>
    %eq3A_484 = arith.cmpf oeq, %mul3A_483, %max3A_321 : vector<160x128xf32>
    %jit3A_485 = arith.constant 56 : i32
    %broadcast_in_dim3A_486 = vector.broadcast %jit3A_485 : i32 to vector<160x128xi32>
    %select_n3A_487 = arith.select %eq3A_484, %broadcast_in_dim3A_486, %select_n3A_480 : vector<160x128xi1>, vector<160x128xi32>
    %slice3A_488 = vector.extract_strided_slice %get3A_4 {offsets = [60, 0, 0], sizes = [1, 160, 128], strides = [1, 1, 1]} : vector<85x160x128xf32> to vector<1x160x128xf32>
    %squeeze3A_489 = vector.shape_cast %slice3A_488 : vector<1x160x128xf32> to vector<160x128xf32>
    %mul3A_490 = arith.mulf %squeeze3A_489, %squeeze3A : vector<160x128xf32>
    %eq3A_491 = arith.cmpf oeq, %mul3A_490, %max3A_321 : vector<160x128xf32>
    %jit3A_492 = arith.constant 55 : i32
    %broadcast_in_dim3A_493 = vector.broadcast %jit3A_492 : i32 to vector<160x128xi32>
    %select_n3A_494 = arith.select %eq3A_491, %broadcast_in_dim3A_493, %select_n3A_487 : vector<160x128xi1>, vector<160x128xi32>
    %slice3A_495 = vector.extract_strided_slice %get3A_4 {offsets = [59, 0, 0], sizes = [1, 160, 128], strides = [1, 1, 1]} : vector<85x160x128xf32> to vector<1x160x128xf32>
    %squeeze3A_496 = vector.shape_cast %slice3A_495 : vector<1x160x128xf32> to vector<160x128xf32>
    %mul3A_497 = arith.mulf %squeeze3A_496, %squeeze3A : vector<160x128xf32>
    %eq3A_498 = arith.cmpf oeq, %mul3A_497, %max3A_321 : vector<160x128xf32>
    %jit3A_499 = arith.constant 54 : i32
    %broadcast_in_dim3A_500 = vector.broadcast %jit3A_499 : i32 to vector<160x128xi32>
    %select_n3A_501 = arith.select %eq3A_498, %broadcast_in_dim3A_500, %select_n3A_494 : vector<160x128xi1>, vector<160x128xi32>
    %slice3A_502 = vector.extract_strided_slice %get3A_4 {offsets = [58, 0, 0], sizes = [1, 160, 128], strides = [1, 1, 1]} : vector<85x160x128xf32> to vector<1x160x128xf32>
    %squeeze3A_503 = vector.shape_cast %slice3A_502 : vector<1x160x128xf32> to vector<160x128xf32>
    %mul3A_504 = arith.mulf %squeeze3A_503, %squeeze3A : vector<160x128xf32>
    %eq3A_505 = arith.cmpf oeq, %mul3A_504, %max3A_321 : vector<160x128xf32>
    %jit3A_506 = arith.constant 53 : i32
    %broadcast_in_dim3A_507 = vector.broadcast %jit3A_506 : i32 to vector<160x128xi32>
    %select_n3A_508 = arith.select %eq3A_505, %broadcast_in_dim3A_507, %select_n3A_501 : vector<160x128xi1>, vector<160x128xi32>
    %slice3A_509 = vector.extract_strided_slice %get3A_4 {offsets = [57, 0, 0], sizes = [1, 160, 128], strides = [1, 1, 1]} : vector<85x160x128xf32> to vector<1x160x128xf32>
    %squeeze3A_510 = vector.shape_cast %slice3A_509 : vector<1x160x128xf32> to vector<160x128xf32>
    %mul3A_511 = arith.mulf %squeeze3A_510, %squeeze3A : vector<160x128xf32>
    %eq3A_512 = arith.cmpf oeq, %mul3A_511, %max3A_321 : vector<160x128xf32>
    %jit3A_513 = arith.constant 52 : i32
    %broadcast_in_dim3A_514 = vector.broadcast %jit3A_513 : i32 to vector<160x128xi32>
    %select_n3A_515 = arith.select %eq3A_512, %broadcast_in_dim3A_514, %select_n3A_508 : vector<160x128xi1>, vector<160x128xi32>
    %slice3A_516 = vector.extract_strided_slice %get3A_4 {offsets = [56, 0, 0], sizes = [1, 160, 128], strides = [1, 1, 1]} : vector<85x160x128xf32> to vector<1x160x128xf32>
    %squeeze3A_517 = vector.shape_cast %slice3A_516 : vector<1x160x128xf32> to vector<160x128xf32>
    %mul3A_518 = arith.mulf %squeeze3A_517, %squeeze3A : vector<160x128xf32>
    %eq3A_519 = arith.cmpf oeq, %mul3A_518, %max3A_321 : vector<160x128xf32>
    %jit3A_520 = arith.constant 51 : i32
    %broadcast_in_dim3A_521 = vector.broadcast %jit3A_520 : i32 to vector<160x128xi32>
    %select_n3A_522 = arith.select %eq3A_519, %broadcast_in_dim3A_521, %select_n3A_515 : vector<160x128xi1>, vector<160x128xi32>
    %slice3A_523 = vector.extract_strided_slice %get3A_4 {offsets = [55, 0, 0], sizes = [1, 160, 128], strides = [1, 1, 1]} : vector<85x160x128xf32> to vector<1x160x128xf32>
    %squeeze3A_524 = vector.shape_cast %slice3A_523 : vector<1x160x128xf32> to vector<160x128xf32>
    %mul3A_525 = arith.mulf %squeeze3A_524, %squeeze3A : vector<160x128xf32>
    %eq3A_526 = arith.cmpf oeq, %mul3A_525, %max3A_321 : vector<160x128xf32>
    %jit3A_527 = arith.constant 50 : i32
    %broadcast_in_dim3A_528 = vector.broadcast %jit3A_527 : i32 to vector<160x128xi32>
    %select_n3A_529 = arith.select %eq3A_526, %broadcast_in_dim3A_528, %select_n3A_522 : vector<160x128xi1>, vector<160x128xi32>
    %slice3A_530 = vector.extract_strided_slice %get3A_4 {offsets = [54, 0, 0], sizes = [1, 160, 128], strides = [1, 1, 1]} : vector<85x160x128xf32> to vector<1x160x128xf32>
    %squeeze3A_531 = vector.shape_cast %slice3A_530 : vector<1x160x128xf32> to vector<160x128xf32>
    %mul3A_532 = arith.mulf %squeeze3A_531, %squeeze3A : vector<160x128xf32>
    %eq3A_533 = arith.cmpf oeq, %mul3A_532, %max3A_321 : vector<160x128xf32>
    %jit3A_534 = arith.constant 49 : i32
    %broadcast_in_dim3A_535 = vector.broadcast %jit3A_534 : i32 to vector<160x128xi32>
    %select_n3A_536 = arith.select %eq3A_533, %broadcast_in_dim3A_535, %select_n3A_529 : vector<160x128xi1>, vector<160x128xi32>
    %slice3A_537 = vector.extract_strided_slice %get3A_4 {offsets = [53, 0, 0], sizes = [1, 160, 128], strides = [1, 1, 1]} : vector<85x160x128xf32> to vector<1x160x128xf32>
    %squeeze3A_538 = vector.shape_cast %slice3A_537 : vector<1x160x128xf32> to vector<160x128xf32>
    %mul3A_539 = arith.mulf %squeeze3A_538, %squeeze3A : vector<160x128xf32>
    %eq3A_540 = arith.cmpf oeq, %mul3A_539, %max3A_321 : vector<160x128xf32>
    %jit3A_541 = arith.constant 48 : i32
    %broadcast_in_dim3A_542 = vector.broadcast %jit3A_541 : i32 to vector<160x128xi32>
    %select_n3A_543 = arith.select %eq3A_540, %broadcast_in_dim3A_542, %select_n3A_536 : vector<160x128xi1>, vector<160x128xi32>
    %slice3A_544 = vector.extract_strided_slice %get3A_4 {offsets = [52, 0, 0], sizes = [1, 160, 128], strides = [1, 1, 1]} : vector<85x160x128xf32> to vector<1x160x128xf32>
    %squeeze3A_545 = vector.shape_cast %slice3A_544 : vector<1x160x128xf32> to vector<160x128xf32>
    %mul3A_546 = arith.mulf %squeeze3A_545, %squeeze3A : vector<160x128xf32>
    %eq3A_547 = arith.cmpf oeq, %mul3A_546, %max3A_321 : vector<160x128xf32>
    %jit3A_548 = arith.constant 47 : i32
    %broadcast_in_dim3A_549 = vector.broadcast %jit3A_548 : i32 to vector<160x128xi32>
    %select_n3A_550 = arith.select %eq3A_547, %broadcast_in_dim3A_549, %select_n3A_543 : vector<160x128xi1>, vector<160x128xi32>
    %slice3A_551 = vector.extract_strided_slice %get3A_4 {offsets = [51, 0, 0], sizes = [1, 160, 128], strides = [1, 1, 1]} : vector<85x160x128xf32> to vector<1x160x128xf32>
    %squeeze3A_552 = vector.shape_cast %slice3A_551 : vector<1x160x128xf32> to vector<160x128xf32>
    %mul3A_553 = arith.mulf %squeeze3A_552, %squeeze3A : vector<160x128xf32>
    %eq3A_554 = arith.cmpf oeq, %mul3A_553, %max3A_321 : vector<160x128xf32>
    %jit3A_555 = arith.constant 46 : i32
    %broadcast_in_dim3A_556 = vector.broadcast %jit3A_555 : i32 to vector<160x128xi32>
    %select_n3A_557 = arith.select %eq3A_554, %broadcast_in_dim3A_556, %select_n3A_550 : vector<160x128xi1>, vector<160x128xi32>
    %slice3A_558 = vector.extract_strided_slice %get3A_4 {offsets = [50, 0, 0], sizes = [1, 160, 128], strides = [1, 1, 1]} : vector<85x160x128xf32> to vector<1x160x128xf32>
    %squeeze3A_559 = vector.shape_cast %slice3A_558 : vector<1x160x128xf32> to vector<160x128xf32>
    %mul3A_560 = arith.mulf %squeeze3A_559, %squeeze3A : vector<160x128xf32>
    %eq3A_561 = arith.cmpf oeq, %mul3A_560, %max3A_321 : vector<160x128xf32>
    %jit3A_562 = arith.constant 45 : i32
    %broadcast_in_dim3A_563 = vector.broadcast %jit3A_562 : i32 to vector<160x128xi32>
    %select_n3A_564 = arith.select %eq3A_561, %broadcast_in_dim3A_563, %select_n3A_557 : vector<160x128xi1>, vector<160x128xi32>
    %slice3A_565 = vector.extract_strided_slice %get3A_4 {offsets = [49, 0, 0], sizes = [1, 160, 128], strides = [1, 1, 1]} : vector<85x160x128xf32> to vector<1x160x128xf32>
    %squeeze3A_566 = vector.shape_cast %slice3A_565 : vector<1x160x128xf32> to vector<160x128xf32>
    %mul3A_567 = arith.mulf %squeeze3A_566, %squeeze3A : vector<160x128xf32>
    %eq3A_568 = arith.cmpf oeq, %mul3A_567, %max3A_321 : vector<160x128xf32>
    %jit3A_569 = arith.constant 44 : i32
    %broadcast_in_dim3A_570 = vector.broadcast %jit3A_569 : i32 to vector<160x128xi32>
    %select_n3A_571 = arith.select %eq3A_568, %broadcast_in_dim3A_570, %select_n3A_564 : vector<160x128xi1>, vector<160x128xi32>
    %slice3A_572 = vector.extract_strided_slice %get3A_4 {offsets = [48, 0, 0], sizes = [1, 160, 128], strides = [1, 1, 1]} : vector<85x160x128xf32> to vector<1x160x128xf32>
    %squeeze3A_573 = vector.shape_cast %slice3A_572 : vector<1x160x128xf32> to vector<160x128xf32>
    %mul3A_574 = arith.mulf %squeeze3A_573, %squeeze3A : vector<160x128xf32>
    %eq3A_575 = arith.cmpf oeq, %mul3A_574, %max3A_321 : vector<160x128xf32>
    %jit3A_576 = arith.constant 43 : i32
    %broadcast_in_dim3A_577 = vector.broadcast %jit3A_576 : i32 to vector<160x128xi32>
    %select_n3A_578 = arith.select %eq3A_575, %broadcast_in_dim3A_577, %select_n3A_571 : vector<160x128xi1>, vector<160x128xi32>
    %slice3A_579 = vector.extract_strided_slice %get3A_4 {offsets = [47, 0, 0], sizes = [1, 160, 128], strides = [1, 1, 1]} : vector<85x160x128xf32> to vector<1x160x128xf32>
    %squeeze3A_580 = vector.shape_cast %slice3A_579 : vector<1x160x128xf32> to vector<160x128xf32>
    %mul3A_581 = arith.mulf %squeeze3A_580, %squeeze3A : vector<160x128xf32>
    %eq3A_582 = arith.cmpf oeq, %mul3A_581, %max3A_321 : vector<160x128xf32>
    %jit3A_583 = arith.constant 42 : i32
    %broadcast_in_dim3A_584 = vector.broadcast %jit3A_583 : i32 to vector<160x128xi32>
    %select_n3A_585 = arith.select %eq3A_582, %broadcast_in_dim3A_584, %select_n3A_578 : vector<160x128xi1>, vector<160x128xi32>
    %slice3A_586 = vector.extract_strided_slice %get3A_4 {offsets = [46, 0, 0], sizes = [1, 160, 128], strides = [1, 1, 1]} : vector<85x160x128xf32> to vector<1x160x128xf32>
    %squeeze3A_587 = vector.shape_cast %slice3A_586 : vector<1x160x128xf32> to vector<160x128xf32>
    %mul3A_588 = arith.mulf %squeeze3A_587, %squeeze3A : vector<160x128xf32>
    %eq3A_589 = arith.cmpf oeq, %mul3A_588, %max3A_321 : vector<160x128xf32>
    %jit3A_590 = arith.constant 41 : i32
    %broadcast_in_dim3A_591 = vector.broadcast %jit3A_590 : i32 to vector<160x128xi32>
    %select_n3A_592 = arith.select %eq3A_589, %broadcast_in_dim3A_591, %select_n3A_585 : vector<160x128xi1>, vector<160x128xi32>
    %slice3A_593 = vector.extract_strided_slice %get3A_4 {offsets = [45, 0, 0], sizes = [1, 160, 128], strides = [1, 1, 1]} : vector<85x160x128xf32> to vector<1x160x128xf32>
    %squeeze3A_594 = vector.shape_cast %slice3A_593 : vector<1x160x128xf32> to vector<160x128xf32>
    %mul3A_595 = arith.mulf %squeeze3A_594, %squeeze3A : vector<160x128xf32>
    %eq3A_596 = arith.cmpf oeq, %mul3A_595, %max3A_321 : vector<160x128xf32>
    %jit3A_597 = arith.constant 40 : i32
    %broadcast_in_dim3A_598 = vector.broadcast %jit3A_597 : i32 to vector<160x128xi32>
    %select_n3A_599 = arith.select %eq3A_596, %broadcast_in_dim3A_598, %select_n3A_592 : vector<160x128xi1>, vector<160x128xi32>
    %slice3A_600 = vector.extract_strided_slice %get3A_4 {offsets = [44, 0, 0], sizes = [1, 160, 128], strides = [1, 1, 1]} : vector<85x160x128xf32> to vector<1x160x128xf32>
    %squeeze3A_601 = vector.shape_cast %slice3A_600 : vector<1x160x128xf32> to vector<160x128xf32>
    %mul3A_602 = arith.mulf %squeeze3A_601, %squeeze3A : vector<160x128xf32>
    %eq3A_603 = arith.cmpf oeq, %mul3A_602, %max3A_321 : vector<160x128xf32>
    %jit3A_604 = arith.constant 39 : i32
    %broadcast_in_dim3A_605 = vector.broadcast %jit3A_604 : i32 to vector<160x128xi32>
    %select_n3A_606 = arith.select %eq3A_603, %broadcast_in_dim3A_605, %select_n3A_599 : vector<160x128xi1>, vector<160x128xi32>
    %slice3A_607 = vector.extract_strided_slice %get3A_4 {offsets = [43, 0, 0], sizes = [1, 160, 128], strides = [1, 1, 1]} : vector<85x160x128xf32> to vector<1x160x128xf32>
    %squeeze3A_608 = vector.shape_cast %slice3A_607 : vector<1x160x128xf32> to vector<160x128xf32>
    %mul3A_609 = arith.mulf %squeeze3A_608, %squeeze3A : vector<160x128xf32>
    %eq3A_610 = arith.cmpf oeq, %mul3A_609, %max3A_321 : vector<160x128xf32>
    %jit3A_611 = arith.constant 38 : i32
    %broadcast_in_dim3A_612 = vector.broadcast %jit3A_611 : i32 to vector<160x128xi32>
    %select_n3A_613 = arith.select %eq3A_610, %broadcast_in_dim3A_612, %select_n3A_606 : vector<160x128xi1>, vector<160x128xi32>
    %slice3A_614 = vector.extract_strided_slice %get3A_4 {offsets = [42, 0, 0], sizes = [1, 160, 128], strides = [1, 1, 1]} : vector<85x160x128xf32> to vector<1x160x128xf32>
    %squeeze3A_615 = vector.shape_cast %slice3A_614 : vector<1x160x128xf32> to vector<160x128xf32>
    %mul3A_616 = arith.mulf %squeeze3A_615, %squeeze3A : vector<160x128xf32>
    %eq3A_617 = arith.cmpf oeq, %mul3A_616, %max3A_321 : vector<160x128xf32>
    %jit3A_618 = arith.constant 37 : i32
    %broadcast_in_dim3A_619 = vector.broadcast %jit3A_618 : i32 to vector<160x128xi32>
    %select_n3A_620 = arith.select %eq3A_617, %broadcast_in_dim3A_619, %select_n3A_613 : vector<160x128xi1>, vector<160x128xi32>
    %slice3A_621 = vector.extract_strided_slice %get3A_4 {offsets = [41, 0, 0], sizes = [1, 160, 128], strides = [1, 1, 1]} : vector<85x160x128xf32> to vector<1x160x128xf32>
    %squeeze3A_622 = vector.shape_cast %slice3A_621 : vector<1x160x128xf32> to vector<160x128xf32>
    %mul3A_623 = arith.mulf %squeeze3A_622, %squeeze3A : vector<160x128xf32>
    %eq3A_624 = arith.cmpf oeq, %mul3A_623, %max3A_321 : vector<160x128xf32>
    %jit3A_625 = arith.constant 36 : i32
    %broadcast_in_dim3A_626 = vector.broadcast %jit3A_625 : i32 to vector<160x128xi32>
    %select_n3A_627 = arith.select %eq3A_624, %broadcast_in_dim3A_626, %select_n3A_620 : vector<160x128xi1>, vector<160x128xi32>
    %slice3A_628 = vector.extract_strided_slice %get3A_4 {offsets = [40, 0, 0], sizes = [1, 160, 128], strides = [1, 1, 1]} : vector<85x160x128xf32> to vector<1x160x128xf32>
    %squeeze3A_629 = vector.shape_cast %slice3A_628 : vector<1x160x128xf32> to vector<160x128xf32>
    %mul3A_630 = arith.mulf %squeeze3A_629, %squeeze3A : vector<160x128xf32>
    %eq3A_631 = arith.cmpf oeq, %mul3A_630, %max3A_321 : vector<160x128xf32>
    %jit3A_632 = arith.constant 35 : i32
    %broadcast_in_dim3A_633 = vector.broadcast %jit3A_632 : i32 to vector<160x128xi32>
    %select_n3A_634 = arith.select %eq3A_631, %broadcast_in_dim3A_633, %select_n3A_627 : vector<160x128xi1>, vector<160x128xi32>
    %slice3A_635 = vector.extract_strided_slice %get3A_4 {offsets = [39, 0, 0], sizes = [1, 160, 128], strides = [1, 1, 1]} : vector<85x160x128xf32> to vector<1x160x128xf32>
    %squeeze3A_636 = vector.shape_cast %slice3A_635 : vector<1x160x128xf32> to vector<160x128xf32>
    %mul3A_637 = arith.mulf %squeeze3A_636, %squeeze3A : vector<160x128xf32>
    %eq3A_638 = arith.cmpf oeq, %mul3A_637, %max3A_321 : vector<160x128xf32>
    %jit3A_639 = arith.constant 34 : i32
    %broadcast_in_dim3A_640 = vector.broadcast %jit3A_639 : i32 to vector<160x128xi32>
    %select_n3A_641 = arith.select %eq3A_638, %broadcast_in_dim3A_640, %select_n3A_634 : vector<160x128xi1>, vector<160x128xi32>
    %slice3A_642 = vector.extract_strided_slice %get3A_4 {offsets = [38, 0, 0], sizes = [1, 160, 128], strides = [1, 1, 1]} : vector<85x160x128xf32> to vector<1x160x128xf32>
    %squeeze3A_643 = vector.shape_cast %slice3A_642 : vector<1x160x128xf32> to vector<160x128xf32>
    %mul3A_644 = arith.mulf %squeeze3A_643, %squeeze3A : vector<160x128xf32>
    %eq3A_645 = arith.cmpf oeq, %mul3A_644, %max3A_321 : vector<160x128xf32>
    %jit3A_646 = arith.constant 33 : i32
    %broadcast_in_dim3A_647 = vector.broadcast %jit3A_646 : i32 to vector<160x128xi32>
    %select_n3A_648 = arith.select %eq3A_645, %broadcast_in_dim3A_647, %select_n3A_641 : vector<160x128xi1>, vector<160x128xi32>
    %slice3A_649 = vector.extract_strided_slice %get3A_4 {offsets = [37, 0, 0], sizes = [1, 160, 128], strides = [1, 1, 1]} : vector<85x160x128xf32> to vector<1x160x128xf32>
    %squeeze3A_650 = vector.shape_cast %slice3A_649 : vector<1x160x128xf32> to vector<160x128xf32>
    %mul3A_651 = arith.mulf %squeeze3A_650, %squeeze3A : vector<160x128xf32>
    %eq3A_652 = arith.cmpf oeq, %mul3A_651, %max3A_321 : vector<160x128xf32>
    %jit3A_653 = arith.constant 32 : i32
    %broadcast_in_dim3A_654 = vector.broadcast %jit3A_653 : i32 to vector<160x128xi32>
    %select_n3A_655 = arith.select %eq3A_652, %broadcast_in_dim3A_654, %select_n3A_648 : vector<160x128xi1>, vector<160x128xi32>
    %slice3A_656 = vector.extract_strided_slice %get3A_4 {offsets = [36, 0, 0], sizes = [1, 160, 128], strides = [1, 1, 1]} : vector<85x160x128xf32> to vector<1x160x128xf32>
    %squeeze3A_657 = vector.shape_cast %slice3A_656 : vector<1x160x128xf32> to vector<160x128xf32>
    %mul3A_658 = arith.mulf %squeeze3A_657, %squeeze3A : vector<160x128xf32>
    %eq3A_659 = arith.cmpf oeq, %mul3A_658, %max3A_321 : vector<160x128xf32>
    %jit3A_660 = arith.constant 31 : i32
    %broadcast_in_dim3A_661 = vector.broadcast %jit3A_660 : i32 to vector<160x128xi32>
    %select_n3A_662 = arith.select %eq3A_659, %broadcast_in_dim3A_661, %select_n3A_655 : vector<160x128xi1>, vector<160x128xi32>
    %slice3A_663 = vector.extract_strided_slice %get3A_4 {offsets = [35, 0, 0], sizes = [1, 160, 128], strides = [1, 1, 1]} : vector<85x160x128xf32> to vector<1x160x128xf32>
    %squeeze3A_664 = vector.shape_cast %slice3A_663 : vector<1x160x128xf32> to vector<160x128xf32>
    %mul3A_665 = arith.mulf %squeeze3A_664, %squeeze3A : vector<160x128xf32>
    %eq3A_666 = arith.cmpf oeq, %mul3A_665, %max3A_321 : vector<160x128xf32>
    %jit3A_667 = arith.constant 30 : i32
    %broadcast_in_dim3A_668 = vector.broadcast %jit3A_667 : i32 to vector<160x128xi32>
    %select_n3A_669 = arith.select %eq3A_666, %broadcast_in_dim3A_668, %select_n3A_662 : vector<160x128xi1>, vector<160x128xi32>
    %slice3A_670 = vector.extract_strided_slice %get3A_4 {offsets = [34, 0, 0], sizes = [1, 160, 128], strides = [1, 1, 1]} : vector<85x160x128xf32> to vector<1x160x128xf32>
    %squeeze3A_671 = vector.shape_cast %slice3A_670 : vector<1x160x128xf32> to vector<160x128xf32>
    %mul3A_672 = arith.mulf %squeeze3A_671, %squeeze3A : vector<160x128xf32>
    %eq3A_673 = arith.cmpf oeq, %mul3A_672, %max3A_321 : vector<160x128xf32>
    %jit3A_674 = arith.constant 29 : i32
    %broadcast_in_dim3A_675 = vector.broadcast %jit3A_674 : i32 to vector<160x128xi32>
    %select_n3A_676 = arith.select %eq3A_673, %broadcast_in_dim3A_675, %select_n3A_669 : vector<160x128xi1>, vector<160x128xi32>
    %slice3A_677 = vector.extract_strided_slice %get3A_4 {offsets = [33, 0, 0], sizes = [1, 160, 128], strides = [1, 1, 1]} : vector<85x160x128xf32> to vector<1x160x128xf32>
    %squeeze3A_678 = vector.shape_cast %slice3A_677 : vector<1x160x128xf32> to vector<160x128xf32>
    %mul3A_679 = arith.mulf %squeeze3A_678, %squeeze3A : vector<160x128xf32>
    %eq3A_680 = arith.cmpf oeq, %mul3A_679, %max3A_321 : vector<160x128xf32>
    %jit3A_681 = arith.constant 28 : i32
    %broadcast_in_dim3A_682 = vector.broadcast %jit3A_681 : i32 to vector<160x128xi32>
    %select_n3A_683 = arith.select %eq3A_680, %broadcast_in_dim3A_682, %select_n3A_676 : vector<160x128xi1>, vector<160x128xi32>
    %slice3A_684 = vector.extract_strided_slice %get3A_4 {offsets = [32, 0, 0], sizes = [1, 160, 128], strides = [1, 1, 1]} : vector<85x160x128xf32> to vector<1x160x128xf32>
    %squeeze3A_685 = vector.shape_cast %slice3A_684 : vector<1x160x128xf32> to vector<160x128xf32>
    %mul3A_686 = arith.mulf %squeeze3A_685, %squeeze3A : vector<160x128xf32>
    %eq3A_687 = arith.cmpf oeq, %mul3A_686, %max3A_321 : vector<160x128xf32>
    %jit3A_688 = arith.constant 27 : i32
    %broadcast_in_dim3A_689 = vector.broadcast %jit3A_688 : i32 to vector<160x128xi32>
    %select_n3A_690 = arith.select %eq3A_687, %broadcast_in_dim3A_689, %select_n3A_683 : vector<160x128xi1>, vector<160x128xi32>
    %slice3A_691 = vector.extract_strided_slice %get3A_4 {offsets = [31, 0, 0], sizes = [1, 160, 128], strides = [1, 1, 1]} : vector<85x160x128xf32> to vector<1x160x128xf32>
    %squeeze3A_692 = vector.shape_cast %slice3A_691 : vector<1x160x128xf32> to vector<160x128xf32>
    %mul3A_693 = arith.mulf %squeeze3A_692, %squeeze3A : vector<160x128xf32>
    %eq3A_694 = arith.cmpf oeq, %mul3A_693, %max3A_321 : vector<160x128xf32>
    %jit3A_695 = arith.constant 26 : i32
    %broadcast_in_dim3A_696 = vector.broadcast %jit3A_695 : i32 to vector<160x128xi32>
    %select_n3A_697 = arith.select %eq3A_694, %broadcast_in_dim3A_696, %select_n3A_690 : vector<160x128xi1>, vector<160x128xi32>
    %slice3A_698 = vector.extract_strided_slice %get3A_4 {offsets = [30, 0, 0], sizes = [1, 160, 128], strides = [1, 1, 1]} : vector<85x160x128xf32> to vector<1x160x128xf32>
    %squeeze3A_699 = vector.shape_cast %slice3A_698 : vector<1x160x128xf32> to vector<160x128xf32>
    %mul3A_700 = arith.mulf %squeeze3A_699, %squeeze3A : vector<160x128xf32>
    %eq3A_701 = arith.cmpf oeq, %mul3A_700, %max3A_321 : vector<160x128xf32>
    %jit3A_702 = arith.constant 25 : i32
    %broadcast_in_dim3A_703 = vector.broadcast %jit3A_702 : i32 to vector<160x128xi32>
    %select_n3A_704 = arith.select %eq3A_701, %broadcast_in_dim3A_703, %select_n3A_697 : vector<160x128xi1>, vector<160x128xi32>
    %slice3A_705 = vector.extract_strided_slice %get3A_4 {offsets = [29, 0, 0], sizes = [1, 160, 128], strides = [1, 1, 1]} : vector<85x160x128xf32> to vector<1x160x128xf32>
    %squeeze3A_706 = vector.shape_cast %slice3A_705 : vector<1x160x128xf32> to vector<160x128xf32>
    %mul3A_707 = arith.mulf %squeeze3A_706, %squeeze3A : vector<160x128xf32>
    %eq3A_708 = arith.cmpf oeq, %mul3A_707, %max3A_321 : vector<160x128xf32>
    %jit3A_709 = arith.constant 24 : i32
    %broadcast_in_dim3A_710 = vector.broadcast %jit3A_709 : i32 to vector<160x128xi32>
    %select_n3A_711 = arith.select %eq3A_708, %broadcast_in_dim3A_710, %select_n3A_704 : vector<160x128xi1>, vector<160x128xi32>
    %slice3A_712 = vector.extract_strided_slice %get3A_4 {offsets = [28, 0, 0], sizes = [1, 160, 128], strides = [1, 1, 1]} : vector<85x160x128xf32> to vector<1x160x128xf32>
    %squeeze3A_713 = vector.shape_cast %slice3A_712 : vector<1x160x128xf32> to vector<160x128xf32>
    %mul3A_714 = arith.mulf %squeeze3A_713, %squeeze3A : vector<160x128xf32>
    %eq3A_715 = arith.cmpf oeq, %mul3A_714, %max3A_321 : vector<160x128xf32>
    %jit3A_716 = arith.constant 23 : i32
    %broadcast_in_dim3A_717 = vector.broadcast %jit3A_716 : i32 to vector<160x128xi32>
    %select_n3A_718 = arith.select %eq3A_715, %broadcast_in_dim3A_717, %select_n3A_711 : vector<160x128xi1>, vector<160x128xi32>
    %slice3A_719 = vector.extract_strided_slice %get3A_4 {offsets = [27, 0, 0], sizes = [1, 160, 128], strides = [1, 1, 1]} : vector<85x160x128xf32> to vector<1x160x128xf32>
    %squeeze3A_720 = vector.shape_cast %slice3A_719 : vector<1x160x128xf32> to vector<160x128xf32>
    %mul3A_721 = arith.mulf %squeeze3A_720, %squeeze3A : vector<160x128xf32>
    %eq3A_722 = arith.cmpf oeq, %mul3A_721, %max3A_321 : vector<160x128xf32>
    %jit3A_723 = arith.constant 22 : i32
    %broadcast_in_dim3A_724 = vector.broadcast %jit3A_723 : i32 to vector<160x128xi32>
    %select_n3A_725 = arith.select %eq3A_722, %broadcast_in_dim3A_724, %select_n3A_718 : vector<160x128xi1>, vector<160x128xi32>
    %slice3A_726 = vector.extract_strided_slice %get3A_4 {offsets = [26, 0, 0], sizes = [1, 160, 128], strides = [1, 1, 1]} : vector<85x160x128xf32> to vector<1x160x128xf32>
    %squeeze3A_727 = vector.shape_cast %slice3A_726 : vector<1x160x128xf32> to vector<160x128xf32>
    %mul3A_728 = arith.mulf %squeeze3A_727, %squeeze3A : vector<160x128xf32>
    %eq3A_729 = arith.cmpf oeq, %mul3A_728, %max3A_321 : vector<160x128xf32>
    %jit3A_730 = arith.constant 21 : i32
    %broadcast_in_dim3A_731 = vector.broadcast %jit3A_730 : i32 to vector<160x128xi32>
    %select_n3A_732 = arith.select %eq3A_729, %broadcast_in_dim3A_731, %select_n3A_725 : vector<160x128xi1>, vector<160x128xi32>
    %slice3A_733 = vector.extract_strided_slice %get3A_4 {offsets = [25, 0, 0], sizes = [1, 160, 128], strides = [1, 1, 1]} : vector<85x160x128xf32> to vector<1x160x128xf32>
    %squeeze3A_734 = vector.shape_cast %slice3A_733 : vector<1x160x128xf32> to vector<160x128xf32>
    %mul3A_735 = arith.mulf %squeeze3A_734, %squeeze3A : vector<160x128xf32>
    %eq3A_736 = arith.cmpf oeq, %mul3A_735, %max3A_321 : vector<160x128xf32>
    %jit3A_737 = arith.constant 20 : i32
    %broadcast_in_dim3A_738 = vector.broadcast %jit3A_737 : i32 to vector<160x128xi32>
    %select_n3A_739 = arith.select %eq3A_736, %broadcast_in_dim3A_738, %select_n3A_732 : vector<160x128xi1>, vector<160x128xi32>
    %slice3A_740 = vector.extract_strided_slice %get3A_4 {offsets = [24, 0, 0], sizes = [1, 160, 128], strides = [1, 1, 1]} : vector<85x160x128xf32> to vector<1x160x128xf32>
    %squeeze3A_741 = vector.shape_cast %slice3A_740 : vector<1x160x128xf32> to vector<160x128xf32>
    %mul3A_742 = arith.mulf %squeeze3A_741, %squeeze3A : vector<160x128xf32>
    %eq3A_743 = arith.cmpf oeq, %mul3A_742, %max3A_321 : vector<160x128xf32>
    %jit3A_744 = arith.constant 19 : i32
    %broadcast_in_dim3A_745 = vector.broadcast %jit3A_744 : i32 to vector<160x128xi32>
    %select_n3A_746 = arith.select %eq3A_743, %broadcast_in_dim3A_745, %select_n3A_739 : vector<160x128xi1>, vector<160x128xi32>
    %slice3A_747 = vector.extract_strided_slice %get3A_4 {offsets = [23, 0, 0], sizes = [1, 160, 128], strides = [1, 1, 1]} : vector<85x160x128xf32> to vector<1x160x128xf32>
    %squeeze3A_748 = vector.shape_cast %slice3A_747 : vector<1x160x128xf32> to vector<160x128xf32>
    %mul3A_749 = arith.mulf %squeeze3A_748, %squeeze3A : vector<160x128xf32>
    %eq3A_750 = arith.cmpf oeq, %mul3A_749, %max3A_321 : vector<160x128xf32>
    %jit3A_751 = arith.constant 18 : i32
    %broadcast_in_dim3A_752 = vector.broadcast %jit3A_751 : i32 to vector<160x128xi32>
    %select_n3A_753 = arith.select %eq3A_750, %broadcast_in_dim3A_752, %select_n3A_746 : vector<160x128xi1>, vector<160x128xi32>
    %slice3A_754 = vector.extract_strided_slice %get3A_4 {offsets = [22, 0, 0], sizes = [1, 160, 128], strides = [1, 1, 1]} : vector<85x160x128xf32> to vector<1x160x128xf32>
    %squeeze3A_755 = vector.shape_cast %slice3A_754 : vector<1x160x128xf32> to vector<160x128xf32>
    %mul3A_756 = arith.mulf %squeeze3A_755, %squeeze3A : vector<160x128xf32>
    %eq3A_757 = arith.cmpf oeq, %mul3A_756, %max3A_321 : vector<160x128xf32>
    %jit3A_758 = arith.constant 17 : i32
    %broadcast_in_dim3A_759 = vector.broadcast %jit3A_758 : i32 to vector<160x128xi32>
    %select_n3A_760 = arith.select %eq3A_757, %broadcast_in_dim3A_759, %select_n3A_753 : vector<160x128xi1>, vector<160x128xi32>
    %slice3A_761 = vector.extract_strided_slice %get3A_4 {offsets = [21, 0, 0], sizes = [1, 160, 128], strides = [1, 1, 1]} : vector<85x160x128xf32> to vector<1x160x128xf32>
    %squeeze3A_762 = vector.shape_cast %slice3A_761 : vector<1x160x128xf32> to vector<160x128xf32>
    %mul3A_763 = arith.mulf %squeeze3A_762, %squeeze3A : vector<160x128xf32>
    %eq3A_764 = arith.cmpf oeq, %mul3A_763, %max3A_321 : vector<160x128xf32>
    %jit3A_765 = arith.constant 16 : i32
    %broadcast_in_dim3A_766 = vector.broadcast %jit3A_765 : i32 to vector<160x128xi32>
    %select_n3A_767 = arith.select %eq3A_764, %broadcast_in_dim3A_766, %select_n3A_760 : vector<160x128xi1>, vector<160x128xi32>
    %slice3A_768 = vector.extract_strided_slice %get3A_4 {offsets = [20, 0, 0], sizes = [1, 160, 128], strides = [1, 1, 1]} : vector<85x160x128xf32> to vector<1x160x128xf32>
    %squeeze3A_769 = vector.shape_cast %slice3A_768 : vector<1x160x128xf32> to vector<160x128xf32>
    %mul3A_770 = arith.mulf %squeeze3A_769, %squeeze3A : vector<160x128xf32>
    %eq3A_771 = arith.cmpf oeq, %mul3A_770, %max3A_321 : vector<160x128xf32>
    %jit3A_772 = arith.constant 15 : i32
    %broadcast_in_dim3A_773 = vector.broadcast %jit3A_772 : i32 to vector<160x128xi32>
    %select_n3A_774 = arith.select %eq3A_771, %broadcast_in_dim3A_773, %select_n3A_767 : vector<160x128xi1>, vector<160x128xi32>
    %slice3A_775 = vector.extract_strided_slice %get3A_4 {offsets = [19, 0, 0], sizes = [1, 160, 128], strides = [1, 1, 1]} : vector<85x160x128xf32> to vector<1x160x128xf32>
    %squeeze3A_776 = vector.shape_cast %slice3A_775 : vector<1x160x128xf32> to vector<160x128xf32>
    %mul3A_777 = arith.mulf %squeeze3A_776, %squeeze3A : vector<160x128xf32>
    %eq3A_778 = arith.cmpf oeq, %mul3A_777, %max3A_321 : vector<160x128xf32>
    %jit3A_779 = arith.constant 14 : i32
    %broadcast_in_dim3A_780 = vector.broadcast %jit3A_779 : i32 to vector<160x128xi32>
    %select_n3A_781 = arith.select %eq3A_778, %broadcast_in_dim3A_780, %select_n3A_774 : vector<160x128xi1>, vector<160x128xi32>
    %slice3A_782 = vector.extract_strided_slice %get3A_4 {offsets = [18, 0, 0], sizes = [1, 160, 128], strides = [1, 1, 1]} : vector<85x160x128xf32> to vector<1x160x128xf32>
    %squeeze3A_783 = vector.shape_cast %slice3A_782 : vector<1x160x128xf32> to vector<160x128xf32>
    %mul3A_784 = arith.mulf %squeeze3A_783, %squeeze3A : vector<160x128xf32>
    %eq3A_785 = arith.cmpf oeq, %mul3A_784, %max3A_321 : vector<160x128xf32>
    %jit3A_786 = arith.constant 13 : i32
    %broadcast_in_dim3A_787 = vector.broadcast %jit3A_786 : i32 to vector<160x128xi32>
    %select_n3A_788 = arith.select %eq3A_785, %broadcast_in_dim3A_787, %select_n3A_781 : vector<160x128xi1>, vector<160x128xi32>
    %slice3A_789 = vector.extract_strided_slice %get3A_4 {offsets = [17, 0, 0], sizes = [1, 160, 128], strides = [1, 1, 1]} : vector<85x160x128xf32> to vector<1x160x128xf32>
    %squeeze3A_790 = vector.shape_cast %slice3A_789 : vector<1x160x128xf32> to vector<160x128xf32>
    %mul3A_791 = arith.mulf %squeeze3A_790, %squeeze3A : vector<160x128xf32>
    %eq3A_792 = arith.cmpf oeq, %mul3A_791, %max3A_321 : vector<160x128xf32>
    %jit3A_793 = arith.constant 12 : i32
    %broadcast_in_dim3A_794 = vector.broadcast %jit3A_793 : i32 to vector<160x128xi32>
    %select_n3A_795 = arith.select %eq3A_792, %broadcast_in_dim3A_794, %select_n3A_788 : vector<160x128xi1>, vector<160x128xi32>
    %slice3A_796 = vector.extract_strided_slice %get3A_4 {offsets = [16, 0, 0], sizes = [1, 160, 128], strides = [1, 1, 1]} : vector<85x160x128xf32> to vector<1x160x128xf32>
    %squeeze3A_797 = vector.shape_cast %slice3A_796 : vector<1x160x128xf32> to vector<160x128xf32>
    %mul3A_798 = arith.mulf %squeeze3A_797, %squeeze3A : vector<160x128xf32>
    %eq3A_799 = arith.cmpf oeq, %mul3A_798, %max3A_321 : vector<160x128xf32>
    %jit3A_800 = arith.constant 11 : i32
    %broadcast_in_dim3A_801 = vector.broadcast %jit3A_800 : i32 to vector<160x128xi32>
    %select_n3A_802 = arith.select %eq3A_799, %broadcast_in_dim3A_801, %select_n3A_795 : vector<160x128xi1>, vector<160x128xi32>
    %slice3A_803 = vector.extract_strided_slice %get3A_4 {offsets = [15, 0, 0], sizes = [1, 160, 128], strides = [1, 1, 1]} : vector<85x160x128xf32> to vector<1x160x128xf32>
    %squeeze3A_804 = vector.shape_cast %slice3A_803 : vector<1x160x128xf32> to vector<160x128xf32>
    %mul3A_805 = arith.mulf %squeeze3A_804, %squeeze3A : vector<160x128xf32>
    %eq3A_806 = arith.cmpf oeq, %mul3A_805, %max3A_321 : vector<160x128xf32>
    %jit3A_807 = arith.constant 10 : i32
    %broadcast_in_dim3A_808 = vector.broadcast %jit3A_807 : i32 to vector<160x128xi32>
    %select_n3A_809 = arith.select %eq3A_806, %broadcast_in_dim3A_808, %select_n3A_802 : vector<160x128xi1>, vector<160x128xi32>
    %slice3A_810 = vector.extract_strided_slice %get3A_4 {offsets = [14, 0, 0], sizes = [1, 160, 128], strides = [1, 1, 1]} : vector<85x160x128xf32> to vector<1x160x128xf32>
    %squeeze3A_811 = vector.shape_cast %slice3A_810 : vector<1x160x128xf32> to vector<160x128xf32>
    %mul3A_812 = arith.mulf %squeeze3A_811, %squeeze3A : vector<160x128xf32>
    %eq3A_813 = arith.cmpf oeq, %mul3A_812, %max3A_321 : vector<160x128xf32>
    %jit3A_814 = arith.constant 9 : i32
    %broadcast_in_dim3A_815 = vector.broadcast %jit3A_814 : i32 to vector<160x128xi32>
    %select_n3A_816 = arith.select %eq3A_813, %broadcast_in_dim3A_815, %select_n3A_809 : vector<160x128xi1>, vector<160x128xi32>
    %slice3A_817 = vector.extract_strided_slice %get3A_4 {offsets = [13, 0, 0], sizes = [1, 160, 128], strides = [1, 1, 1]} : vector<85x160x128xf32> to vector<1x160x128xf32>
    %squeeze3A_818 = vector.shape_cast %slice3A_817 : vector<1x160x128xf32> to vector<160x128xf32>
    %mul3A_819 = arith.mulf %squeeze3A_818, %squeeze3A : vector<160x128xf32>
    %eq3A_820 = arith.cmpf oeq, %mul3A_819, %max3A_321 : vector<160x128xf32>
    %jit3A_821 = arith.constant 8 : i32
    %broadcast_in_dim3A_822 = vector.broadcast %jit3A_821 : i32 to vector<160x128xi32>
    %select_n3A_823 = arith.select %eq3A_820, %broadcast_in_dim3A_822, %select_n3A_816 : vector<160x128xi1>, vector<160x128xi32>
    %slice3A_824 = vector.extract_strided_slice %get3A_4 {offsets = [12, 0, 0], sizes = [1, 160, 128], strides = [1, 1, 1]} : vector<85x160x128xf32> to vector<1x160x128xf32>
    %squeeze3A_825 = vector.shape_cast %slice3A_824 : vector<1x160x128xf32> to vector<160x128xf32>
    %mul3A_826 = arith.mulf %squeeze3A_825, %squeeze3A : vector<160x128xf32>
    %eq3A_827 = arith.cmpf oeq, %mul3A_826, %max3A_321 : vector<160x128xf32>
    %jit3A_828 = arith.constant 7 : i32
    %broadcast_in_dim3A_829 = vector.broadcast %jit3A_828 : i32 to vector<160x128xi32>
    %select_n3A_830 = arith.select %eq3A_827, %broadcast_in_dim3A_829, %select_n3A_823 : vector<160x128xi1>, vector<160x128xi32>
    %slice3A_831 = vector.extract_strided_slice %get3A_4 {offsets = [11, 0, 0], sizes = [1, 160, 128], strides = [1, 1, 1]} : vector<85x160x128xf32> to vector<1x160x128xf32>
    %squeeze3A_832 = vector.shape_cast %slice3A_831 : vector<1x160x128xf32> to vector<160x128xf32>
    %mul3A_833 = arith.mulf %squeeze3A_832, %squeeze3A : vector<160x128xf32>
    %eq3A_834 = arith.cmpf oeq, %mul3A_833, %max3A_321 : vector<160x128xf32>
    %jit3A_835 = arith.constant 6 : i32
    %broadcast_in_dim3A_836 = vector.broadcast %jit3A_835 : i32 to vector<160x128xi32>
    %select_n3A_837 = arith.select %eq3A_834, %broadcast_in_dim3A_836, %select_n3A_830 : vector<160x128xi1>, vector<160x128xi32>
    %slice3A_838 = vector.extract_strided_slice %get3A_4 {offsets = [10, 0, 0], sizes = [1, 160, 128], strides = [1, 1, 1]} : vector<85x160x128xf32> to vector<1x160x128xf32>
    %squeeze3A_839 = vector.shape_cast %slice3A_838 : vector<1x160x128xf32> to vector<160x128xf32>
    %mul3A_840 = arith.mulf %squeeze3A_839, %squeeze3A : vector<160x128xf32>
    %eq3A_841 = arith.cmpf oeq, %mul3A_840, %max3A_321 : vector<160x128xf32>
    %jit3A_842 = arith.constant 5 : i32
    %broadcast_in_dim3A_843 = vector.broadcast %jit3A_842 : i32 to vector<160x128xi32>
    %select_n3A_844 = arith.select %eq3A_841, %broadcast_in_dim3A_843, %select_n3A_837 : vector<160x128xi1>, vector<160x128xi32>
    %slice3A_845 = vector.extract_strided_slice %get3A_4 {offsets = [9, 0, 0], sizes = [1, 160, 128], strides = [1, 1, 1]} : vector<85x160x128xf32> to vector<1x160x128xf32>
    %squeeze3A_846 = vector.shape_cast %slice3A_845 : vector<1x160x128xf32> to vector<160x128xf32>
    %mul3A_847 = arith.mulf %squeeze3A_846, %squeeze3A : vector<160x128xf32>
    %eq3A_848 = arith.cmpf oeq, %mul3A_847, %max3A_321 : vector<160x128xf32>
    %jit3A_849 = arith.constant 4 : i32
    %broadcast_in_dim3A_850 = vector.broadcast %jit3A_849 : i32 to vector<160x128xi32>
    %select_n3A_851 = arith.select %eq3A_848, %broadcast_in_dim3A_850, %select_n3A_844 : vector<160x128xi1>, vector<160x128xi32>
    %slice3A_852 = vector.extract_strided_slice %get3A_4 {offsets = [8, 0, 0], sizes = [1, 160, 128], strides = [1, 1, 1]} : vector<85x160x128xf32> to vector<1x160x128xf32>
    %squeeze3A_853 = vector.shape_cast %slice3A_852 : vector<1x160x128xf32> to vector<160x128xf32>
    %mul3A_854 = arith.mulf %squeeze3A_853, %squeeze3A : vector<160x128xf32>
    %eq3A_855 = arith.cmpf oeq, %mul3A_854, %max3A_321 : vector<160x128xf32>
    %jit3A_856 = arith.constant 3 : i32
    %broadcast_in_dim3A_857 = vector.broadcast %jit3A_856 : i32 to vector<160x128xi32>
    %select_n3A_858 = arith.select %eq3A_855, %broadcast_in_dim3A_857, %select_n3A_851 : vector<160x128xi1>, vector<160x128xi32>
    %slice3A_859 = vector.extract_strided_slice %get3A_4 {offsets = [7, 0, 0], sizes = [1, 160, 128], strides = [1, 1, 1]} : vector<85x160x128xf32> to vector<1x160x128xf32>
    %squeeze3A_860 = vector.shape_cast %slice3A_859 : vector<1x160x128xf32> to vector<160x128xf32>
    %mul3A_861 = arith.mulf %squeeze3A_860, %squeeze3A : vector<160x128xf32>
    %eq3A_862 = arith.cmpf oeq, %mul3A_861, %max3A_321 : vector<160x128xf32>
    %jit3A_863 = arith.constant 2 : i32
    %broadcast_in_dim3A_864 = vector.broadcast %jit3A_863 : i32 to vector<160x128xi32>
    %select_n3A_865 = arith.select %eq3A_862, %broadcast_in_dim3A_864, %select_n3A_858 : vector<160x128xi1>, vector<160x128xi32>
    %slice3A_866 = vector.extract_strided_slice %get3A_4 {offsets = [6, 0, 0], sizes = [1, 160, 128], strides = [1, 1, 1]} : vector<85x160x128xf32> to vector<1x160x128xf32>
    %squeeze3A_867 = vector.shape_cast %slice3A_866 : vector<1x160x128xf32> to vector<160x128xf32>
    %mul3A_868 = arith.mulf %squeeze3A_867, %squeeze3A : vector<160x128xf32>
    %eq3A_869 = arith.cmpf oeq, %mul3A_868, %max3A_321 : vector<160x128xf32>
    %jit3A_870 = arith.constant 1 : i32
    %broadcast_in_dim3A_871 = vector.broadcast %jit3A_870 : i32 to vector<160x128xi32>
    %select_n3A_872 = arith.select %eq3A_869, %broadcast_in_dim3A_871, %select_n3A_865 : vector<160x128xi1>, vector<160x128xi32>
    %slice3A_873 = vector.extract_strided_slice %get3A_4 {offsets = [5, 0, 0], sizes = [1, 160, 128], strides = [1, 1, 1]} : vector<85x160x128xf32> to vector<1x160x128xf32>
    %squeeze3A_874 = vector.shape_cast %slice3A_873 : vector<1x160x128xf32> to vector<160x128xf32>
    %mul3A_875 = arith.mulf %squeeze3A_874, %squeeze3A : vector<160x128xf32>
    %eq3A_876 = arith.cmpf oeq, %mul3A_875, %max3A_321 : vector<160x128xf32>
    %jit3A_877 = arith.constant 0 : i32
    %broadcast_in_dim3A_878 = vector.broadcast %jit3A_877 : i32 to vector<160x128xi32>
    %select_n3A_879 = arith.select %eq3A_876, %broadcast_in_dim3A_878, %select_n3A_872 : vector<160x128xi1>, vector<160x128xi32>
    %gt3A = arith.constant 2.500000e-01 : f32
    %gt3A_880 = vector.broadcast %gt3A : f32 to vector<160x128xf32>
    %gt3A_881 = arith.cmpf ogt, %max3A_321, %gt3A_880 : vector<160x128xf32>
    %jit3A_882 = arith.constant -1.000000e+00 : f32
    %broadcast_in_dim3A_883 = vector.broadcast %jit3A_882 : f32 to vector<160x128xf32>
    %select_n3A_884 = arith.select %gt3A_881, %max3A_321, %broadcast_in_dim3A_883 : vector<160x128xi1>, vector<160x128xf32>
    %slice3A_885 = vector.extract_strided_slice %get3A_4 {offsets = [0, 0, 0], sizes = [1, 160, 128], strides = [1, 1, 1]} : vector<85x160x128xf32> to vector<1x160x128xf32>
    %squeeze3A_886 = vector.shape_cast %slice3A_885 : vector<1x160x128xf32> to vector<160x128xf32>
    %slice3A_887 = vector.extract_strided_slice %get3A_4 {offsets = [1, 0, 0], sizes = [1, 160, 128], strides = [1, 1, 1]} : vector<85x160x128xf32> to vector<1x160x128xf32>
    %squeeze3A_888 = vector.shape_cast %slice3A_887 : vector<1x160x128xf32> to vector<160x128xf32>
    %slice3A_889 = vector.extract_strided_slice %get3A_4 {offsets = [2, 0, 0], sizes = [1, 160, 128], strides = [1, 1, 1]} : vector<85x160x128xf32> to vector<1x160x128xf32>
    %squeeze3A_890 = vector.shape_cast %slice3A_889 : vector<1x160x128xf32> to vector<160x128xf32>
    %slice3A_891 = vector.extract_strided_slice %get3A_4 {offsets = [3, 0, 0], sizes = [1, 160, 128], strides = [1, 1, 1]} : vector<85x160x128xf32> to vector<1x160x128xf32>
    %squeeze3A_892 = vector.shape_cast %slice3A_891 : vector<1x160x128xf32> to vector<160x128xf32>
    %convert_element_type3A = arith.sitofp %select_n3A_879 : vector<160x128xi32> to vector<160x128xf32>
    %mul3A_893 = arith.constant 4.096000e+03 : f32
    %mul3A_894 = vector.broadcast %mul3A_893 : f32 to vector<160x128xf32>
    %mul3A_895 = arith.mulf %convert_element_type3A, %mul3A_894 : vector<160x128xf32>
    %swap3A = arith.constant 0 : index
    %swap3A_896 = arith.constant 0 : index
    %swap3A_897 = arith.constant 0 : index
    %swap3A_898 = arith.constant 0 : index
    %swap3A_899 = vector.load %arg2[%swap3A, %swap3A_896, %swap3A_897, %swap3A_898] : memref<1x5x160x128xf32, #tpu.memory_space<vmem>>, vector<1x1x160x128xf32>
    %swap3A_900 = vector.shape_cast %swap3A_899 : vector<1x1x160x128xf32> to vector<160x128xf32>
    %swap3A_901 = vector.shape_cast %select_n3A_884 : vector<160x128xf32> to vector<1x1x160x128xf32>
    tpu.vector_store %arg2[%swap3A, %swap3A_896, %swap3A_897, %swap3A_898], %swap3A_901 {strides = array<i32>} : memref<1x5x160x128xf32, #tpu.memory_space<vmem>>, vector<1x1x160x128xf32>,
    %div3A = arith.constant 2.000000e+00 : f32
    %div3A_902 = vector.broadcast %div3A : f32 to vector<160x128xf32>
    %div3A_903 = arith.divf %squeeze3A_890, %div3A_902 : vector<160x128xf32>
    %sub3A = arith.subf %squeeze3A_886, %div3A_903 : vector<160x128xf32>
    %add3A = arith.addf %sub3A, %mul3A_895 : vector<160x128xf32>
    %swap3A_904 = arith.constant 0 : index
    %swap3A_905 = arith.constant 1 : index
    %swap3A_906 = arith.constant 0 : index
    %swap3A_907 = arith.constant 0 : index
    %swap3A_908 = vector.load %arg2[%swap3A_904, %swap3A_905, %swap3A_906, %swap3A_907] : memref<1x5x160x128xf32, #tpu.memory_space<vmem>>, vector<1x1x160x128xf32>
    %swap3A_909 = vector.shape_cast %swap3A_908 : vector<1x1x160x128xf32> to vector<160x128xf32>
    %swap3A_910 = vector.shape_cast %add3A : vector<160x128xf32> to vector<1x1x160x128xf32>
    tpu.vector_store %arg2[%swap3A_904, %swap3A_905, %swap3A_906, %swap3A_907], %swap3A_910 {strides = array<i32>} : memref<1x5x160x128xf32, #tpu.memory_space<vmem>>, vector<1x1x160x128xf32>,
    %div3A_911 = arith.constant 2.000000e+00 : f32
    %div3A_912 = vector.broadcast %div3A_911 : f32 to vector<160x128xf32>
    %div3A_913 = arith.divf %squeeze3A_892, %div3A_912 : vector<160x128xf32>
    %sub3A_914 = arith.subf %squeeze3A_888, %div3A_913 : vector<160x128xf32>
    %add3A_915 = arith.addf %sub3A_914, %mul3A_895 : vector<160x128xf32>
    %swap3A_916 = arith.constant 0 : index
    %swap3A_917 = arith.constant 2 : index
    %swap3A_918 = arith.constant 0 : index
    %swap3A_919 = arith.constant 0 : index
    %swap3A_920 = vector.load %arg2[%swap3A_916, %swap3A_917, %swap3A_918, %swap3A_919] : memref<1x5x160x128xf32, #tpu.memory_space<vmem>>, vector<1x1x160x128xf32>
    %swap3A_921 = vector.shape_cast %swap3A_920 : vector<1x1x160x128xf32> to vector<160x128xf32>
    %swap3A_922 = vector.shape_cast %add3A_915 : vector<160x128xf32> to vector<1x1x160x128xf32>
    tpu.vector_store %arg2[%swap3A_916, %swap3A_917, %swap3A_918, %swap3A_919], %swap3A_922 {strides = array<i32>} : memref<1x5x160x128xf32, #tpu.memory_space<vmem>>, vector<1x1x160x128xf32>,
    %div3A_923 = arith.constant 2.000000e+00 : f32
    %div3A_924 = vector.broadcast %div3A_923 : f32 to vector<160x128xf32>
    %div3A_925 = arith.divf %squeeze3A_890, %div3A_924 : vector<160x128xf32>
    %add3A_926 = arith.addf %squeeze3A_886, %div3A_925 : vector<160x128xf32>
    %add3A_927 = arith.addf %add3A_926, %mul3A_895 : vector<160x128xf32>
    %swap3A_928 = arith.constant 0 : index
    %swap3A_929 = arith.constant 3 : index
    %swap3A_930 = arith.constant 0 : index
    %swap3A_931 = arith.constant 0 : index
    %swap3A_932 = vector.load %arg2[%swap3A_928, %swap3A_929, %swap3A_930, %swap3A_931] : memref<1x5x160x128xf32, #tpu.memory_space<vmem>>, vector<1x1x160x128xf32>
    %swap3A_933 = vector.shape_cast %swap3A_932 : vector<1x1x160x128xf32> to vector<160x128xf32>
    %swap3A_934 = vector.shape_cast %add3A_927 : vector<160x128xf32> to vector<1x1x160x128xf32>
    tpu.vector_store %arg2[%swap3A_928, %swap3A_929, %swap3A_930, %swap3A_931], %swap3A_934 {strides = array<i32>} : memref<1x5x160x128xf32, #tpu.memory_space<vmem>>, vector<1x1x160x128xf32>,
    %div3A_935 = arith.constant 2.000000e+00 : f32
    %div3A_936 = vector.broadcast %div3A_935 : f32 to vector<160x128xf32>
    %div3A_937 = arith.divf %squeeze3A_892, %div3A_936 : vector<160x128xf32>
    %add3A_938 = arith.addf %squeeze3A_888, %div3A_937 : vector<160x128xf32>
    %add3A_939 = arith.addf %add3A_938, %mul3A_895 : vector<160x128xf32>
    %swap3A_940 = arith.constant 0 : index
    %swap3A_941 = arith.constant 4 : index
    %swap3A_942 = arith.constant 0 : index
    %swap3A_943 = arith.constant 0 : index
    %swap3A_944 = vector.load %arg2[%swap3A_940, %swap3A_941, %swap3A_942, %swap3A_943] : memref<1x5x160x128xf32, #tpu.memory_space<vmem>>, vector<1x1x160x128xf32>
    %swap3A_945 = vector.shape_cast %swap3A_944 : vector<1x1x160x128xf32> to vector<160x128xf32>
    %swap3A_946 = vector.shape_cast %add3A_939 : vector<160x128xf32> to vector<1x1x160x128xf32>
    tpu.vector_store %arg2[%swap3A_940, %swap3A_941, %swap3A_942, %swap3A_943], %swap3A_946 {strides = array<i32>} : memref<1x5x160x128xf32, #tpu.memory_space<vmem>>, vector<1x1x160x128xf32>,
    return
  }
  func.func @transform_0(%arg0: i32) -> (i32, i32, i32, i32) {
    %c0_i32 = arith.constant 0 : i32
    %c0_i32_0 = arith.constant 0 : i32
    %c0_i32_1 = arith.constant 0 : i32
    %c0_i32_2 = arith.constant 0 : i32
    return %arg0, %c0_i32, %c0_i32_0, %c0_i32_1 : i32, i32, i32, i32
  }
  func.func @transform_1(%arg0: i32) -> (i32, i32, i32, i32) {
    %c0_i32 = arith.constant 0 : i32
    %c0_i32_0 = arith.constant 0 : i32
    %c0_i32_1 = arith.constant 0 : i32
    %c0_i32_2 = arith.constant 0 : i32
    return %arg0, %c0_i32, %c0_i32_0, %c0_i32_1 : i32, i32, i32, i32
  }
}

</mosaic_0001>

<sc_bundles>
// kernel: kernel.4.cloned.1.call-start
scs
__scs_entry_jumppad:
0x0: {  	(pc) =	sbr.rel $0x88, $3  }
0x1: {  	(tag) =	ssettag $0x0;
	lr =	simm.s32 $0x1  }
0x2: {  	[smem:$0x3FA0] =	sst lr;
	_ =	strace $0xD0000000  }
0x3: {  	_ = 	snop  }
0x4: {  	_ = 	snop  }
0x5: {  	_ = 	snop  }
0x6: {  	_ = 	snop  }
0x7: {  	_ = 	snop  }
__scs_overlays_trampoline_lowered:
0x8: {  	[smem:$0x3FAF] =	sst s0  }
0x9: {  	[smem:$0x3FB0] =	sst s1  }
0xa: {  	[smem:$0x3FB1] =	sst s2  }
0xb: {  	[smem:$0x3FB2] =	sst s3  }
0xc: {  	[smem:$0x3FB3] =	sst s4  }
0xd: {  	[smem:$0x3FB4] =	sst s5  }
0xe: {  	[smem:$0x3FB5] =	sst s6  }
0xf: {  	[smem:$0x3FB6] =	sst s7  }
0x10: {  	[smem:$0x3FB7] =	sst s8  }
0x11: {  	[smem:$0x3FB8] =	sst s9;
	s0 =	simm.s32 @!p0 $0x0  }
0x12: {  	s1 =	sld [smem:$0x3F9E];
	s0 =	simm.s32 @p0 $0x1  }
0x13: {  	[smem:$0x3FB9] =	sst s0;
	s0 =	simm.s32 @!p1 $0x0  }
0x14: {  	s2 =	sld [smem:$0x3F9D];
	s0 =	simm.s32 @p1 $0x1  }
0x15: {  	[smem:$0x3FBA] =	sst s0;
	s0 =	simm.s32 @!p2 $0x0  }
0x16: {  	s3 =	sld [smem:$0x3FDB];
	s0 =	simm.s32 @p2 $0x1  }
0x17: {  	s4 =	simm.s32 $0x1BF5;
	[smem:$0x3FBC] =	sst s0  }
0x18: {  	s0 =	sld [smem:$0x3F9F];
	_ =	swait.ge [sflag:s4], $0x0  }
0x19: {  	s7 =	sld [smem:$0x3FA0]  }
0x1a: {  	s8 =	sadd.s32 $0xFFFFE003, lr  }
0x1b: {  	s9 =	sadd.s32 $0xFFFFFEF7, lr;
	s5 =	simm.s32 $0xFFFFFFFF;
	p2 =	slt.u32 s8, $0xFFFFF086  }
0x1c: {  	p1 =	slt.u32 s9, $0xF7A;
	s5 =	simm.s32 @!p2 $0x0  }
0x1d: {  	s5 =	simm.s32 @p1 $0x1;
	p0 =	seq.s32 s7, s2  }
0x1e: {  	s7 =	smul.u32 @!p0 $0xF7A, s2;
	p2 =	seq.s32 @!p0 s5, $0x0  }
0x1f: {  	s9 =	smul.u32 $0xF7A, s1;
	s8 =	simm.s32 @!p0 $0x1BF5;
	p2 =	por !p2, p0  }
0x20: {  	[sflag:s8] =	ssyncset.s32 @!p0 $0xFFFFF086;
	s6 =	sadd.s32 @!p0 s3, s7;
	s7 =	simm.s32 @!p0 $0x108  }
0x21: {  	s3 =	sadd.s32 s3, s9;
	s6 =	sadd.s32 @!p0 $0x88, s6;
	s7 =	simm.s32 @p2 $0x1082  }
0x22: {  	[simem:s7], [sflag:s8] =	dma.local @!p0 [hbm:s6], $0xF7A  }
0x23: {  	s9 =	sor.u32 $0xD0000000, s2;
	s6 =	simm.s32 $0x108;
	_ =	swait.ge @!p0 [sflag:s8], $0x0  }
0x24: {  	s3 =	sadd.s32 $0x88, s3;
	s6 =	simm.s32 @!p1 $0x1082;
	[sflag:s4] =	ssyncset.s32 $0xFFFFF086  }
0x25: {  	[simem:s6], [sflag:s4] =	dma.local [hbm:s3], $0xF7A  }
0x26: {  	[smem:$0x3FA0] =	sst s1;
	(tag) =	ssettag s2;
	_ =	strace s9  }
0x27: {  	s1 =	sld [smem:$0x3FB0]  }
0x28: {  	s2 =	sld [smem:$0x3FB1]  }
0x29: {  	s4 =	sld [smem:$0x3FB3]  }
0x2a: {  	p0 =	seq.s32 s5, $0x0;
	s5 =	sld [smem:$0x3FB4]  }
0x2b: {  	s6 =	sld [smem:$0x3FB5]  }
0x2c: {  	s7 =	sld [smem:$0x3FB6]  }
0x2d: {  	s3 =	simm.s32 $0x108;
	s8 =	sld [smem:$0x3FB7]  }
0x2e: {  	s3 =	simm.s32 @!p0 $0x1082;
	s9 =	sld [smem:$0x3FB8]  }
0x2f: {  	lr =	sadd.s32 s0, s3;
	s0 =	sld [smem:$0x3FAF]  }
0x30: {  	s3 =	sld [smem:$0x3FB2]  }
0x31: {  	[smem:$0x3FBB] =	sst s10  }
0x32: {  	s10 =	sld [smem:$0x3FB9];
	_ =	sdelay $0x3  }
0x33: {  	p0 =	seq.s32 s10, $0x1;
	s10 =	sld [smem:$0x3FBB];
	_ =	sdelay $0x3  }
0x34: {  	[smem:$0x3FBB] =	sst s10  }
0x35: {  	s10 =	sld [smem:$0x3FBA];
	_ =	sdelay $0x3  }
0x36: {  	p1 =	seq.s32 s10, $0x1;
	s10 =	sld [smem:$0x3FBB];
	_ =	sdelay $0x3  }
0x37: {  	[smem:$0x3FBB] =	sst s10  }
0x38: {  	s10 =	sld [smem:$0x3FBC]  }
0x39: {  	_ = 	snop;
	(pc) =	sbr.ind lr, $3  }
0x3a: {  	_ = 	snop  }
0x3b: {  	_ = 	snop  }
0x3c: {  	p2 =	seq.s32 s10, $0x1;
	s10 =	sld [smem:$0x3FBB]  }
0x3d: {  	_ =	shalt  }
0x3e: {  	_ =	shalt  }
0x3f: {  	_ =	shalt  }
0x40: {  	_ =	shalt  }
0x41: {  	_ =	shalt  }
0x42: {  	_ =	shalt  }
0x43: {  	_ =	shalt  }
0x44: {  	_ =	shalt  }
0x45: {  	_ =	shalt  }
0x46: {  	_ =	shalt  }
0x47: {  	_ =	shalt  }
0x48: {  	_ =	shalt  }
0x49: {  	_ =	shalt  }
0x4a: {  	_ =	shalt  }
0x4b: {  	_ =	shalt  }
0x4c: {  	_ =	shalt  }
0x4d: {  	_ =	shalt  }
0x4e: {  	_ =	shalt  }
0x4f: {  	_ =	shalt  }
0x50: {  	_ =	shalt  }
0x51: {  	_ =	shalt  }
0x52: {  	_ =	shalt  }
0x53: {  	_ =	shalt  }
0x54: {  	_ =	shalt  }
0x55: {  	_ =	shalt  }
0x56: {  	_ =	shalt  }
0x57: {  	_ =	shalt  }
0x58: {  	_ =	shalt  }
0x59: {  	_ =	shalt  }
0x5a: {  	_ =	shalt  }
0x5b: {  	_ =	shalt  }
0x5c: {  	_ =	shalt  }
0x5d: {  	_ =	shalt  }
0x5e: {  	_ =	shalt  }
0x5f: {  	_ =	shalt  }
0x60: {  	_ =	shalt  }
0x61: {  	_ =	shalt  }
0x62: {  	_ =	shalt  }
0x63: {  	_ =	shalt  }
0x64: {  	_ =	shalt  }
0x65: {  	_ =	shalt  }
0x66: {  	_ =	shalt  }
0x67: {  	_ =	shalt  }
0x68: {  	_ =	shalt  }
0x69: {  	_ =	shalt  }
0x6a: {  	_ =	shalt  }
0x6b: {  	_ =	shalt  }
0x6c: {  	_ =	shalt  }
0x6d: {  	_ =	shalt  }
0x6e: {  	_ =	shalt  }
0x6f: {  	_ =	shalt  }
0x70: {  	_ =	shalt  }
0x71: {  	_ =	shalt  }
0x72: {  	_ =	shalt  }
0x73: {  	_ =	shalt  }
0x74: {  	_ =	shalt  }
0x75: {  	_ =	shalt  }
0x76: {  	_ =	shalt  }
0x77: {  	_ =	shalt  }
0x78: {  	_ =	shalt  }
0x79: {  	_ =	shalt  }
0x7a: {  	_ =	shalt  }
0x7b: {  	_ =	shalt  }
0x7c: {  	_ =	shalt  }
0x7d: {  	_ =	shalt  }
0x7e: {  	_ =	shalt  }
0x7f: {  	_ =	shalt  }
0x80: {  	_ =	shalt  }
0x81: {  	_ =	shalt  }
0x82: {  	_ =	shalt  }
0x83: {  	_ =	shalt  }
0x84: {  	_ =	shalt  }
0x85: {  	_ =	shalt  }
0x86: {  	_ =	shalt  }
0x87: {  	_ =	shalt  }
.Lfunc_end0:
.L_simem_size_0:
called_computation.1_lowered:
.L_overlay_start_0:
0x88: {  	s2 =	sld [smem:$0x3FD9]  }
0x89: {  	s3 =	sld [smem:$0x3FFE];
	_ =	sdelay $0x1  }
0x8a: {  	s1 =	srdreg.scid  }
0x8b: {  	s0 =	sand.u32 $0x1, s1  }
0x8c: {  	s16 =	sshll.u32 s0, $0xA;
	s2 =	sadd.s32 s3, s2  }
0x8d: {  	s2 =	sadd.s32 s2, s16  }
0x8e: {  	[smem:$0x3FC7] =	sst s2  }
0x8f: {  	_ = 	snop  }
0x90: {  	(tm) =	ssettm $0x1  }
0x91: {  	s17 =	sld [smem:$0x3FFB];
	_ =	sdelay $0x3  }
0x92: {  	_ =	strace s17  }
0x93: {  	s2 =	sld [smem:$0x3FFC];
	_ =	sdelay $0x3  }
0x94: {  	_ =	strace s2  }
0x95: {  	s2 =	sld [smem:$0x3FFD];
	_ =	sdelay $0x3  }
0x96: {  	_ =	strace s2  }
0x97: {  	_ =	strace $0x8FFFFFFF  }
0x98: {  	s18 =	sld [smem:$0x3FDB];
	_ =	sdelay $0x1  }
0x99: {  	s19 =	simm.s32 $_scs_section_size  }
0x9a: {  	s4 =	simm.s32 $_size__tile_overlayer_lowered;
	s5 =	simm.s32 $_tile_overlayer_lowered  }
0x9b: {  	s22 =	simm.s32 $0x1BFF;
	s21 =	sshll.u32 s5, $0x1;
	s2 =	sadd.s32 s19, s18  }
0x9c: {  	s6 =	simm.s32 $0x0;
	s20 =	sshll.u32 s4, $0x1;
	s4 =	sadd.s32 s21, s2  }
0x9d: {  	[timem:s6], [sflag:s22] =	dma.local [hbm:s4], s20  }
0x9e: {  	_ =	swait.ge [sflag:s22], s20  }
0x9f: {  	s3 =	ssub.s32 $0x0, s20;
	[sflag:s22] =	ssyncset.done $0x0  }
0xa0: {  	[sflag:s22] =	ssyncadd.s32 s3;
	_ =	sdelay $0x1  }
0xa1: {  	s23 =	simm.s32 $0x1B8B  }
0xa2: {  	_ =	swait.ge [sflag:s23], $0x1  }
0xa3: {  	[sflag:s23] =	ssyncset.done $0x0  }
0xa4: {  	s25 =	simm.s32 $0x1B8E;
	s24 =	sld [smem:$0x3FFE];
	[sflag:s23] =	ssyncadd.s32 $0xFFFFFFFF  }
0xa5: {  	s26 =	simm.s32 $execute0_lowered;
	[smem:$0x3FD2] =	sst s25  }
0xa6: {  	s4 =	sshll.u32 s26, $0x1;
	_ =	strace $0x80000049;
	[dreg:$0x1] =	wrdreg $0xFFFFFFFF  }
0xa7: {  	s28 =	simm.s32 $_size_execute0_lowered;
	s2 =	sadd.s32 s2, s4;
	[dreg:$0x0] =	wrdreg $0x0  }
0xa8: {  	s4 =	sshll.u32 s28, $0x1;
	[dreg:$0x2] =	wrdreg s2  }
0xa9: {  	[dreg:$0x3] =	wrdreg s4  }
0xaa: {  	[dreg:$0x4] =	wrdreg $0xC0  }
0xab: {  	_ =	task [dreg:s6], $0x5FFFF  }
0xac: {  	[dreg:$0x1] =	wrdreg $0xFFFFFFFF  }
0xad: {  	[dreg:$0x0] =	wrdreg $0x60  }
0xae: {  	[dreg:$0x2] =	wrdreg s24  }
0xaf: {  	[dreg:$0x3] =	wrdreg $0x9  }
0xb0: {  	_ =	task.clear_ibuf [dreg:s6], $0x4FFFF;
	_ =	strace $0x90000049  }
0xb1: {  	s29 =	simm.s32 $0x9;
	_ =	strace $0x8000004B  }
0xb2: {  	_ =	swait.ge [sflag:s29], $0x1  }
0xb3: {  	[sflag:s29] =	ssyncadd.s32 $0xFFFFFFFF  }
0xb4: {  	_ =	strace $0x9000004B  }
0xb5: {  	_ =	sfence  }
0xb6: {  	s30 =	sld [smem:$0x0];
	_ =	sdelay $0x2  }
0xb7: {  	s31 =	sshll.u32 s1, $0xD;
	s1 =	sshrl.u32 s1, $0x2  }
0xb8: {  	s3 =	sand.u32 $0x4000, s31;
	s1 =	sadd.s32 s1, s30  }
0xb9: {  	s0 =	sor.u32 s3, s0;
	s1 =	sshll.u32 s1, $0x11  }
0xba: {  	s0 =	sor.u32 s1, s0  }
0xbb: {  	s0 =	sadd.s32 $0x8F2B, s0  }
0xbc: {  	[sflag:s0] =	ssyncadd.remote.s32 $0x1  }
0xbd: {  	_ =	sfence.sel $0xFFFF  }
0xbe: {  	[dreg:$0x0] =	wrdreg $0xFFFFFFFF;
	(pc) =	sbr.abs _section_cstart, $3  }
0xbf: {  	[dreg:$0x1] =	wrdreg $0xFFFFFFFF  }
0xc0: {  	_ =	task.clear_ibuf [dreg:s6], $0x2FFFF;
	_ =	strace $0x9FFFFFFF  }
0xc1: {  	(tm) =	ssettm $0x7FFFFFFF  }
tec
execute0_lowered:
.L_overlay_start_1:
0x0: {  	(tag) =	ssettag $0x1  }
0x1: {  	s1 =	stileid.u32  }
0x2: {  	p0 =	sgt.u32 s1, $0x3  }
.Ltmp0:
0x3: {  	_ = 	snop;
	(pc) =	sbr.rel @p0 .LBB2_9-.Ltmp0, $4  }
0x4: {  	_ = 	snop  }
0x5: {  	s5 =	rddreg [dreg:$0x0];
	s2 =	simm.s32 $0x0  }
0x6: {  	[smem:$0x7FF] =	sst s2  }
0x7: {  	s0 =	rddreg [dreg:$0x1];
	_ =	strace $0x8000004A  }
0x8: {  	v0 =	vimm.s32 $0x14000;
	vm0 =	vcmask $0x300  }
0x9: {  	v1 =	vimm.s32 $0xEFCDAB89;
	v2 =	vimm.s32 $0x67452301;
	v3 =	vimm.s32 $0xDCFE98BA  }
0xa: {  	v4 =	vimm.s32 $0x54761032;
	v5 =	vimm.s32 $0xBA98FEDC;
	v6 =	vimm.s32 $0x32107654  }
0xb: {  	v7 =	vimm.s32 $0xFEDCBA98;
	v8 =	vimm.s32 $0x76543210;
	v9 =	vimm.s32 $0x3  }
0xc: {  	v10 =	vimm.f32 $0.0e+00;
	vm1 =	vmmov $0x1;
	vm2 =	vcmask $0x308  }
0xd: {  	vm3 =	vcmask $0x70C;
	vm4 =	vcmask $0xB10;
	vm5 =	vcmask $0xF14  }
0xe: {  	vm6 =	vcmask $0x1318;
	v0 =	vsel vm0, $0x5000, v0;
	vm0 =	vcmask $0x704  }
0xf: {  	v1 =	vunpack.c.l.s4.s8 v1;
	v2 =	vunpack.c.l.s4.s8 v2;
	v3 =	vunpack.c.l.s4.s8 v3  }
0x10: {  	s3 =	srdreg.scid;
	v4 =	vunpack.c.l.s4.s8 v4;
	v5 =	vunpack.c.l.s4.s8 v5;
	v6 =	vunpack.c.l.s4.s8 v6  }
0x11: {  	s30 =	sshll.u32 s1, $0x1;
	s12 =	simm.s32 $0x5000;
	s6 =	sand.u32 $0x1, s3;
	v7 =	vunpack.c.l.s4.s8 v7;
	v0 =	vsel vm0, $0xA000, v0;
	vm0 =	vcmask $0xB08  }
0x12: {  	s13 =	simm.s32 $0xA000;
	s14 =	simm.s32 $0xF000;
	v8 =	vunpack.c.l.s4.s8 v8;
	s4 =	sor.u32 s6, s30;
	v0 =	vsel vm0, $0xF000, v0;
	v1 =	vunpack.c.0.s8.s32 v1  }
0x13: {  	s15 =	simm.s32 $0x14000;
	s16 =	simm.s32 $0x19000;
	v2 =	vunpack.c.0.s8.s32 v2;
	v3 =	vunpack.c.0.s8.s32 v3;
	s7 =	smul.u32 $0x19000, s4;
	v4 =	vunpack.c.0.s8.s32 v4  }
0x14: {  	s17 =	simm.s32 $0x19080;
	s18 =	simm.s32 $0x0;
	s10 =	ssub.s32 $0x2, s6;
	v5 =	vunpack.c.0.s8.s32 v5;
	v6 =	vunpack.c.0.s8.s32 v6;
	v7 =	vunpack.c.0.s8.s32 v7  }
0x15: {  	s19 =	simm.s32 $0x0;
	s8 =	smul.u32 $0xC8, s4;
	s11 =	sshrl.u32 s10, $0x1;
	vm0 =	vmmov $0xffff;
	v0 =	vadd.s32 s7, v0;
	v2 =	vcombine.low v2, v1  }
0x16: {  	s3 =	sadd.s32 $0xA00, s5;
	s10 =	ssub.s32 s10, s11;
	s31 =	sshrl.u32 s7, $0x3;
	v3 =	vcombine.low v4, v3;
	v4 =	vcombine.low v6, v5;
	v5 =	vunpack.c.0.s8.s32 v8  }
0x17: {  	s11 =	simm.s32 $0x1;
	s9 =	sadd.s32 s8, s5;
	v1 =	vlaneseq.u32;
	v6 =	vand.u32 $0xF, v7;
	v7 =	vimm.s32 $0x1;
	s4 =	sadd.s32 s3, s31  }
0x18: {  	s10 =	smax.u32 s10, $0x1;
	v8 =	vimm.s32 $0x2;
	s9 =	sadd.s32 $0x19A00, s9;
	s5 =	sadd.s32 $0xA00, s4;
	v2 =	vand.u32 $0xF, v2;
	v3 =	vand.u32 $0xF, v3  }
0x19: {  	s6 =	sadd.s32 $0x1400, s4;
	s7 =	sadd.s32 $0x1E00, s4;
	v4 =	vand.u32 $0xF, v4;
	v5 =	vcombine.low v6, v5;
	s8 =	sadd.s32 $0x2800, s4;
	v6 =	vimm.s32 $0x0  }
.LBB2_2:
0x1a: {  	[tilespmem:s19], [sflag:$0x1] =	stream.linear.gather [hbm4b:s4+s19], $0x5000, $0x38;
	[tilespmem:$0x19700] =	vst v63  }
0x1b: {  	_ =	swait.ge [sflag:s11], $0x5000  }
0x1c: {  	[sflag:s11] =	ssyncset.done $0x0  }
0x1d: {  	[sflag:s11] =	ssyncadd.s32 $0xFFFFB000  }
0x1e: {  	[tilespmem:s12], [sflag:$0x1] =	stream.linear.gather [hbm4b:s5+s19], $0x5000, $0x38;
	[tilespmem:$0x19700] =	vst v63  }
0x1f: {  	_ =	swait.ge [sflag:s11], $0x5000  }
0x20: {  	[sflag:s11] =	ssyncset.done $0x0  }
0x21: {  	[sflag:s11] =	ssyncadd.s32 $0xFFFFB000  }
0x22: {  	[tilespmem:s13], [sflag:$0x1] =	stream.linear.gather [hbm4b:s6+s19], $0x5000, $0x38;
	[tilespmem:$0x19700] =	vst v63  }
0x23: {  	_ =	swait.ge [sflag:s11], $0x5000  }
0x24: {  	[sflag:s11] =	ssyncset.done $0x0  }
0x25: {  	[sflag:s11] =	ssyncadd.s32 $0xFFFFB000  }
0x26: {  	[tilespmem:s14], [sflag:$0x1] =	stream.linear.gather [hbm4b:s7+s19], $0x5000, $0x38;
	[tilespmem:$0x19700] =	vst v63  }
0x27: {  	_ =	swait.ge [sflag:s11], $0x5000  }
0x28: {  	[sflag:s11] =	ssyncset.done $0x0  }
0x29: {  	[sflag:s11] =	ssyncadd.s32 $0xFFFFB000  }
0x2a: {  	[tilespmem:s15], [sflag:$0x1] =	stream.linear.gather [hbm4b:s8+s19], $0x5000, $0x38;
	[tilespmem:$0x19700] =	vst v63  }
0x2b: {  	_ =	swait.ge [sflag:s11], $0x5000  }
0x2c: {  	[sflag:s11] =	ssyncset.done $0x0  }
0x2d: {  	s20 =	simm.s32 $0x0;
	[sflag:s11] =	ssyncadd.s32 $0xFFFFB000  }
.LBB2_3:
0x2e: {  	v12 =	vld [tilespmem:s19+$0x0];
	_ =	sdelay $0x3  }
0x2f: {  	v13 =	vimm.f32 $-2.000000000e+00  }
0x30: {  	v11 =	vimm.s32 $0x0;
	s21 =	simm.s32 $0x10;
	v14 =	vor.u32 s19, v1;
	s22 =	simm.s32 $0x10;
	vm7 =	vgt.f32 v12, v13  }
.LBB2_4:
0x31: {  	p0 =	sne.s32 s21, $0x4FF0;
	v11 =	vsel vm7, v14, v11;
	v13 =	vsel vm7, v12, v13;
	v12 =	vld [tilespmem:s22+$0x0];
	s23 =	smov.u32 s21;
	s21 =	sadd.s32 $0x10, s21  }
.Ltmp1:
0x32: {  	(pc) =	sbr.rel @p0 .LBB2_4-.Ltmp1, $2  }
0x33: {  	_ =	sdelay $0x2  }
0x34: {  	s22 =	sadd.s32 $0x10, s22;
	v14 =	vor.u32 s23, v1;
	vm7 =	vgt.f32 v12, v13  }
0x35: {  	v12 =	vsel vm7, v12, v13  }
0x36: {  	v13 =	vperm.xlane v12, v2;
	_ =	sdelay $0x1  }
0x37: {  	v13 =	vmax.f32 v12, v13  }
0x38: {  	v15 =	vperm.xlane v13, v3;
	_ =	sdelay $0x1  }
0x39: {  	v13 =	vmax.f32 v13, v15  }
0x3a: {  	v15 =	vperm.xlane v13, v4;
	_ =	sdelay $0x1  }
0x3b: {  	v13 =	vmax.f32 v13, v15  }
0x3c: {  	v15 =	vperm.xlane v13, v5;
	_ =	sdelay $0x1  }
0x3d: {  	v16 =	vmax.f32 v13, v15  }
0x3e: {  	v11 =	vsel vm7, v14, v11;
	vm7 =	veq.f32 v12, v16  }
0x3f: {  	v11 =	vnsel vm7, $0x5000, v11  }
0x40: {  	v12 =	vperm.xlane v11, v2;
	_ =	sdelay $0x1  }
0x41: {  	vm7 =	vlt.s32 v11, v12  }
0x42: {  	v11 =	vsel vm7, v11, v12  }
0x43: {  	v12 =	vperm.xlane v11, v3;
	_ =	sdelay $0x1  }
0x44: {  	vm7 =	vlt.s32 v11, v12  }
0x45: {  	v11 =	vsel vm7, v11, v12  }
0x46: {  	v12 =	vperm.xlane v11, v4;
	_ =	sdelay $0x1  }
0x47: {  	vm7 =	vlt.s32 v11, v12  }
0x48: {  	v11 =	vsel vm7, v11, v12  }
0x49: {  	v12 =	vperm.xlane v11, v5;
	_ =	sdelay $0x1  }
0x4a: {  	vm7 =	vlt.s32 v11, v12  }
0x4b: {  	v11 =	vsel vm7, v11, v12  }
0x4c: {  	v12 =	vadd.s32 v11, v0;
	_ =	sdelay $0x3  }
0x4d: {  	s21 =	simm.s32 $0x0  }
0x4e: {  	[tilespmem:s16], [sflag:$0x1] =	stream.indirect_vreg.gather [hbm4b:s3+s21], $0x1, v12, vm0, $0xb8;
	[tilespmem:$0x19700] =	vst v63  }
0x4f: {  	_ =	swait.ge [sflag:s11], $0x10  }
0x50: {  	[sflag:s11] =	ssyncset.done $0x0  }
0x51: {  	[sflag:s11] =	ssyncadd.s32 $0xFFFFFFF0  }
0x52: {  	v15 =	vld [tilespmem:$0x19000];
	_ =	sdelay $0x4  }
0x53: {  	v12 =	vperm.xlane v15, v6;
	_ =	sdelay $0x1  }
0x54: {  	v13 =	vmul.f32 $2.441406250e-04, v12;
	_ =	sdelay $0x1  }
0x55: {  	v13 =	vadd.f32 $5.000000000e-01, v13;
	_ =	sdelay $0x1  }
0x56: {  	v13 =	vtrunc.f32 v13  }
0x57: {  	v13 =	vcvt.f32.s32 v13;
	_ =	sdelay $0x1  }
0x58: {  	v17 =	vcvt.s32.f32 v13;
	_ =	sdelay $0x1  }
0x59: {  	v13 =	vperm.xlane v15, v7;
	v18 =	vmul.f32 $4.096000000e+03, v17;
	_ =	sdelay $0x1  }
0x5a: {  	v14 =	vperm.xlane v15, v8;
	v19 =	vsub.f32 v12, v18;
	v20 =	vsub.f32 v13, v18  }
0x5b: {  	v15 =	vperm.xlane v15, v9  }
0x5c: {  	v21 =	vsub.f32 v14, v18;
	v19 =	vnsel vm1, $0x0, v19;
	v20 =	vsel vm2, $0x0, v20  }
0x5d: {  	v19 =	vadd.f32 v20, v19  }
0x5e: {  	v18 =	vsub.f32 v15, v18;
	v20 =	vsel vm3, $0x0, v21  }
0x5f: {  	v19 =	vadd.f32 v19, v20  }
0x60: {  	v18 =	vsel vm4, $0x0, v18  }
0x61: {  	v18 =	vadd.f32 v19, v18;
	v19 =	vmax.f32 v16, $0.0e+00  }
0x62: {  	v19 =	vsel vm5, $0x0, v19  }
0x63: {  	v18 =	vadd.f32 v18, v19  }
0x64: {  	v17 =	vsel vm6, $0x0, v17  }
0x65: {  	vm7 =	vgt.f32 v16, $0.0e+00;
	v16 =	vadd.f32 v18, v17  }
0x66: {  	v17 =	vsel vm7, $0x3F800000, v10  }
0x67: {  	s22 =	sshll.u32 s20, $0x4;
	v16 =	vmul.f32 v16, v17  }
0x68: {  	s22 =	sand.u32 $0x3FFFFFF0, s22  }
0x69: {  	s29 =	simm.s32 $0x5000;
	[tilespmem:s22+$0x19080] =	vst v16  }
0x6a: {  	s23 =	simm.s32 $0xF000;
	v16 =	vld [tilespmem:s29+$0x0]  }
0x6b: {  	s30 =	simm.s32 $0xA000;
	v17 =	vld [tilespmem:s23+$0x0]  }
0x6c: {  	s31 =	simm.s32 $0x14000;
	v18 =	vld [tilespmem:s30+$0x0]  }
0x6d: {  	v19 =	vld [tilespmem:s31+$0x0];
	_ =	sdelay $0x2  }
0x6e: {  	v21 =	vsub.f32 v15, v13;
	v20 =	vsub.f32 v14, v12  }
0x6f: {  	v22 =	vmax.f32 v12, v16;
	v23 =	vmin.f32 v14, v17;
	v17 =	vsub.f32 v17, v16  }
0x70: {  	v16 =	vmax.f32 v13, v18;
	v18 =	vsub.f32 v19, v18;
	v19 =	vmin.f32 v15, v19  }
0x71: {  	v22 =	vsub.f32 v23, v22;
	v19 =	vsub.f32 v19, v16  }
0x72: {  	v16 =	vmul.f32 v21, v20;
	v17 =	vmul.f32 v18, v17  }
0x73: {  	v18 =	vmax.f32 v22, $0.0e+00;
	v19 =	vmax.f32 v19, $0.0e+00  }
0x74: {  	v18 =	vmul.f32 v19, v18;
	v17 =	vadd.f32 v17, v16;
	_ =	sdelay $0x1  }
0x75: {  	v17 =	vsub.f32 v17, v18;
	_ =	sdelay $0x1  }
0x76: {  	v17 =	vadd.f32 $9.999999710e-10, v17;
	_ =	sdelay $0x1  }
0x77: {  	(erf) = vrcp.f32 v17;
	_ =	sdelay $0x8  }
0x78: {  	v17 =	vpop (erf)  }
0x79: {  	v17 =	vmul.f32 v17, v18;
	v18 =	vld [tilespmem:s21+$0x0];
	_ =	sdelay $0x1  }
0x7a: {  	vm8 =	vgt.f32 v17, $4.499999880e-01;
	v17 =	vor.u32 s21, v1  }
0x7b: {  	vm8 =	vmand vm7, vm8;
	vm9 =	veq.s32 v17, v11  }
0x7c: {  	vm8 =	vmor vm9, vm8  }
0x7d: {  	v17 =	vsel vm8, $0xBF800000, v18  }
0x7e: {  	s23 =	simm.s32 $0x5010;
	[tilespmem:s21+$0x0] =	vst v17  }
0x7f: {  	s24 =	simm.s32 $0xF010;
	v17 =	vld [tilespmem:s23+$0x0]  }
0x80: {  	s25 =	simm.s32 $0xA010;
	v19 =	vld [tilespmem:s24+$0x0]  }
0x81: {  	s26 =	simm.s32 $0x14010;
	v18 =	vld [tilespmem:s25+$0x0]  }
0x82: {  	s28 =	simm.s32 $0x20;
	s22 =	simm.s32 $0x10;
	v20 =	vld [tilespmem:s26+$0x0]  }
.LBB2_6:
0x83: {  	p0 =	sne.s32 s28, $0x4FF0;
	_ =	sdelay $0x2  }
0x84: {  	v21 =	vmax.f32 v12, v17;
	v22 =	vmin.f32 v14, v19;
	v17 =	vsub.f32 v19, v17  }
0x85: {  	v19 =	vmax.f32 v13, v18;
	v23 =	vmin.f32 v15, v20;
	v18 =	vsub.f32 v20, v18  }
0x86: {  	v20 =	vsub.f32 v22, v21;
	v19 =	vsub.f32 v23, v19  }
0x87: {  	v17 =	vmul.f32 v18, v17  }
0x88: {  	v18 =	vmax.f32 v20, $0.0e+00;
	v19 =	vmax.f32 v19, $0.0e+00  }
0x89: {  	v18 =	vmul.f32 v19, v18;
	v17 =	vadd.f32 v17, v16;
	_ =	sdelay $0x1  }
0x8a: {  	v17 =	vsub.f32 v17, v18;
	_ =	sdelay $0x1  }
0x8b: {  	v17 =	vadd.f32 $9.999999710e-10, v17;
	_ =	sdelay $0x1  }
0x8c: {  	(erf) = vrcp.f32 v17;
	_ =	sdelay $0x8  }
0x8d: {  	s21 =	sadd.s32 $0x10, s21;
	v17 =	vpop (erf)  }
0x8e: {  	v17 =	vmul.f32 v17, v18;
	v18 =	vld [tilespmem:s21+$0x0];
	_ =	sdelay $0x1  }
0x8f: {  	vm8 =	vgt.f32 v17, $4.499999880e-01;
	v17 =	vor.u32 s22, v1;
	s22 =	smov.u32 s28  }
0x90: {  	vm8 =	vmand vm7, vm8;
	vm9 =	veq.s32 v17, v11  }
0x91: {  	vm8 =	vmor vm9, vm8  }
0x92: {  	v17 =	vsel vm8, $0xBF800000, v18  }
.Ltmp2:
0x93: {  	s23 =	sadd.s32 $0x10, s23;
	[tilespmem:s21+$0x0] =	vst v17;
	(pc) =	sbr.rel @p0 .LBB2_6-.Ltmp2, $4  }
0x94: {  	s24 =	sadd.s32 $0x10, s24;
	v17 =	vld [tilespmem:s23+$0x0]  }
0x95: {  	s25 =	sadd.s32 $0x10, s25;
	v19 =	vld [tilespmem:s24+$0x0]  }
0x96: {  	s26 =	sadd.s32 $0x10, s26;
	v18 =	vld [tilespmem:s25+$0x0]  }
0x97: {  	s28 =	sadd.s32 $0x10, s28;
	v20 =	vld [tilespmem:s26+$0x0]  }
0x98: {  	_ =	sdelay $0x2  }
0x99: {  	v12 =	vmax.f32 v12, v17;
	v14 =	vmin.f32 v14, v19;
	v58 =	vsub.f32 v19, v17  }
0x9a: {  	v13 =	vmax.f32 v13, v18;
	v15 =	vmin.f32 v15, v20;
	v59 =	vsub.f32 v20, v18  }
0x9b: {  	v12 =	vsub.f32 v14, v12;
	v13 =	vsub.f32 v15, v13  }
0x9c: {  	v60 =	vmul.f32 v59, v58  }
0x9d: {  	v12 =	vmax.f32 v12, $0.0e+00;
	v13 =	vmax.f32 v13, $0.0e+00  }
0x9e: {  	v12 =	vmul.f32 v13, v12;
	v61 =	vadd.f32 v60, v16;
	_ =	sdelay $0x1  }
0x9f: {  	v13 =	vsub.f32 v61, v12;
	_ =	sdelay $0x1  }
0xa0: {  	v13 =	vadd.f32 $9.999999710e-10, v13;
	_ =	sdelay $0x1  }
0xa1: {  	(erf) = vrcp.f32 v13;
	_ =	sdelay $0x8  }
0xa2: {  	s21 =	sadd.s32 $0x10, s21;
	v13 =	vpop (erf)  }
0xa3: {  	s20 =	sadd.s32 $0x1, s20;
	v62 =	vld [tilespmem:s21+$0x0];
	v12 =	vmul.f32 v13, v12  }
0xa4: {  	p0 =	sne.s32 s20, $0x64  }
.Ltmp3:
0xa5: {  	v63 =	vor.u32 s22, v1;
	vm8 =	vgt.f32 v12, $4.499999880e-01;
	(pc) =	sbr.rel @p0 .LBB2_3-.Ltmp3, $4  }
0xa6: {  	vm7 =	vmand vm7, vm8;
	vm8 =	veq.s32 v63, v11  }
0xa7: {  	vm7 =	vmor vm8, vm7  }
0xa8: {  	v11 =	vsel vm7, $0xBF800000, v62  }
0xa9: {  	[tilespmem:s21+$0x0] =	vst v11  }
0xaa: {  	s18 =	sadd.s32 $0x1, s18  }
0xab: {  	p0 =	sne.s32 s18, s10  }
.Ltmp4:
0xac: {  	_ = 	snop;
	(pc) =	sbr.rel @p0 .LBB2_2-.Ltmp4, $4  }
0xad: {  	[hbm4b:s9+s2] =	stream.linear.scatter [tilespmem:s17], [sflag:$0x1], $0x640, $0x38;
	[tilespmem:$0x19700] =	vst v63  }
0xae: {  	_ =	swait.ge [sflag:s11], $0x640  }
0xaf: {  	[sflag:s11] =	ssyncset.done $0x0  }
0xb0: {  	[sflag:s11] =	ssyncadd.s32 $0xFFFFF9C0  }
.LBB2_9:
0xb1: {  	_ =	sfence.sel $0x180000  }
0xb2: {  	[bflag:$0x0] =	sbarrier.arrive $0xFFFF  }
0xb3: {  	p0 =	sne.s32 s1, $0x0;
	_ =	strace $0x9000004A  }
0xb4: {  	s0 =	sadd.s32 @!p0 $0x100000, s0;
	[bflag:$0x2] =	sbarrier.arrive $0xFFFF  }
0xb5: {  	[sflag:s0] =	ssyncadd.tile.s32 @!p0 $0x1;
	_ =	shalt  }
.Lfunc_end2:
_tile_overlayer_lowered:
.L_overlay_start_2:
0xb6: {  	(tag) =	ssettag $0x2  }
0xb7: {  	s0 =	rddreg [dreg:$0x0];
	s2 =	stileid.u32  }
0xb8: {  	s1 =	rddreg [dreg:$0x1];
	p0 =	sne.s32 s2, $0x0  }
0xb9: {  	s3 =	rddreg [dreg:$0x2];
	[bflag:$0x3] =	sbarrier.arrive $0xFFFF;
	s2 =	simm.s32 @!p0 $0x1C01  }
0xba: {  	[timem:s3], [sflag:s2] =	dma.local @!p0 [hbm:s0], s1  }
0xbb: {  	s0 =	simm.s32 @!p0 $0x1  }
0xbc: {  	_ =	swait.ge @!p0 [sflag:s0], s1  }
0xbd: {  	s1 =	ssub.s32 @!p0 $0x0, s1;
	[sflag:s0] =	ssyncset.done @!p0 $0x0  }
0xbe: {  	[sflag:s0] =	ssyncadd.s32 @!p0 s1  }
0xbf: {  	[bflag:$0x3] =	sbarrier.arrive $0xFFFF  }
0xc0: {  	_ =	shalt  }

// kernel: sparse-core-data-format-call.cloned.1.call-start
scs
called_computation_lowered:
.L_overlay_start_0:
0x0: {  	s1 =	sld [smem:$0x3FD9]  }
0x1: {  	s2 =	sld [smem:$0x3FFE];
	_ =	sdelay $0x1  }
0x2: {  	s3 =	srdreg.scid  }
0x3: {  	s0 =	sand.u32 $0x1, s3  }
0x4: {  	s17 =	sshll.u32 s0, $0xA;
	s1 =	sadd.s32 s2, s1  }
0x5: {  	s1 =	sadd.s32 s1, s17  }
0x6: {  	[smem:$0x3FC7] =	sst s1  }
0x7: {  	_ = 	snop  }
0x8: {  	(tm) =	ssettm $0x1  }
0x9: {  	s18 =	sld [smem:$0x3FFB];
	_ =	sdelay $0x3  }
0xa: {  	_ =	strace s18  }
0xb: {  	s1 =	sld [smem:$0x3FFC];
	_ =	sdelay $0x3  }
0xc: {  	_ =	strace s1  }
0xd: {  	s1 =	sld [smem:$0x3FFD];
	_ =	sdelay $0x3  }
0xe: {  	_ =	strace s1  }
0xf: {  	_ =	strace $0x8FFFFFFF  }
0x10: {  	s19 =	sld [smem:$0x3FDB];
	_ =	sdelay $0x1  }
0x11: {  	s20 =	simm.s32 $_scs_section_size  }
0x12: {  	s4 =	simm.s32 $_size__tile_overlayer_lowered;
	s5 =	simm.s32 $_tile_overlayer_lowered  }
0x13: {  	s23 =	simm.s32 $0x1BFF;
	s22 =	sshll.u32 s5, $0x1;
	s1 =	sadd.s32 s20, s19  }
0x14: {  	s6 =	simm.s32 $0x0;
	s21 =	sshll.u32 s4, $0x1;
	s4 =	sadd.s32 s22, s1  }
0x15: {  	[timem:s6], [sflag:s23] =	dma.local [hbm:s4], s21  }
0x16: {  	_ =	swait.ge [sflag:s23], s21  }
0x17: {  	s2 =	ssub.s32 $0x0, s21;
	[sflag:s23] =	ssyncset.done $0x0  }
0x18: {  	[sflag:s23] =	ssyncadd.s32 s2;
	_ =	sdelay $0x1  }
0x19: {  	s24 =	simm.s32 $0x1B8B  }
0x1a: {  	_ =	swait.ge [sflag:s24], $0x1  }
0x1b: {  	[sflag:s24] =	ssyncset.done $0x0  }
0x1c: {  	s26 =	simm.s32 $0x1B8E;
	s25 =	sld [smem:$0x3FFE];
	[sflag:s24] =	ssyncadd.s32 $0xFFFFFFFF  }
0x1d: {  	s27 =	simm.s32 $execute0_lowered;
	[smem:$0x3FD2] =	sst s26  }
0x1e: {  	s4 =	sshll.u32 s27, $0x1;
	_ =	strace $0x80000046;
	[dreg:$0x1] =	wrdreg $0xFFFFFFFF  }
0x1f: {  	s28 =	simm.s32 $_size_execute0_lowered;
	s1 =	sadd.s32 s1, s4;
	[dreg:$0x0] =	wrdreg $0x0  }
0x20: {  	s4 =	sshll.u32 s28, $0x1;
	[dreg:$0x2] =	wrdreg s1  }
0x21: {  	[dreg:$0x3] =	wrdreg s4  }
0x22: {  	[dreg:$0x4] =	wrdreg $0xC0  }
0x23: {  	_ =	task [dreg:s6], $0x5FFFF  }
0x24: {  	[dreg:$0x1] =	wrdreg $0xFFFFFFFF  }
0x25: {  	[dreg:$0x0] =	wrdreg $0x60  }
0x26: {  	[dreg:$0x2] =	wrdreg s25  }
0x27: {  	[dreg:$0x3] =	wrdreg $0x9  }
0x28: {  	_ =	task.clear_ibuf [dreg:s6], $0x4FFFF;
	_ =	strace $0x90000046  }
0x29: {  	s29 =	simm.s32 $0x9;
	_ =	strace $0x80000048  }
0x2a: {  	_ =	swait.ge [sflag:s29], $0x1  }
0x2b: {  	[sflag:s29] =	ssyncadd.s32 $0xFFFFFFFF  }
0x2c: {  	_ =	strace $0x90000048  }
0x2d: {  	_ =	sfence  }
0x2e: {  	s30 =	sld [smem:$0x0];
	_ =	sdelay $0x2  }
0x2f: {  	s31 =	sshll.u32 s3, $0xD;
	s3 =	sshrl.u32 s3, $0x2  }
0x30: {  	s2 =	sand.u32 $0x4000, s31;
	s1 =	sadd.s32 s3, s30  }
0x31: {  	s0 =	sor.u32 s2, s0;
	s1 =	sshll.u32 s1, $0x11  }
0x32: {  	s0 =	sor.u32 s1, s0  }
0x33: {  	s0 =	sadd.s32 $0x8F2B, s0  }
0x34: {  	[sflag:s0] =	ssyncadd.remote.s32 $0x1  }
0x35: {  	_ =	sfence.sel $0xFFFF  }
0x36: {  	[dreg:$0x0] =	wrdreg $0xFFFFFFFF;
	(pc) =	sbr.abs _section_cstart, $3  }
0x37: {  	[dreg:$0x1] =	wrdreg $0xFFFFFFFF  }
0x38: {  	_ =	task.clear_ibuf [dreg:s6], $0x2FFFF;
	_ =	strace $0x9FFFFFFF  }
0x39: {  	(tm) =	ssettm $0x7FFFFFFF  }
tec
execute0_lowered:
.L_overlay_start_1:
0x0: {  	(tag) =	ssettag $0x1  }
0x1: {  	s0 =	srdreg.scid;
	s6 =	rddreg [dreg:$0x0];
	s4 =	simm.s32 $0x1  }
0x2: {  	s7 =	simm.s32 $0x2;
	s14 =	simm.s32 $0x0;
	s1 =	sshll.u32 s0, $0x4  }
0x3: {  	s8 =	simm.s32 $0x800;
	s0 =	stileid.u32;
	s1 =	sand.u32 $0x10, s1  }
0x4: {  	s9 =	simm.s32 $0x5000;
	s10 =	simm.s32 $0x0;
	s2 =	sor.u32 s0, s1  }
.Ltmp0:
0x5: {  	s15 =	simm.s32 $0x0;
	s3 =	ssub.s32 $0x74, s2;
	(pc) =	sbr.rel .LBB1_1-.Ltmp0, $4  }
0x6: {  	s11 =	simm.s32 $0x0;
	s13 =	simm.s32 $0x0;
	s5 =	sshrl.u32 s3, $0x5  }
0x7: {  	s1 =	rddreg [dreg:$0x1];
	_ =	strace $0x80000047;
	s5 =	smul.u32 $0xA, s5  }
0x8: {  	[sflag:s4] =	ssyncpa.u1 $0x0;
	s12 =	smov.u32 s2;
	s3 =	sadd.s32 $0xA00, s6  }
0x9: {  	s6 =	sadd.s32 $0x1A9A00, s6;
	[sflag:s7] =	ssyncpa.u1 $0x0;
	s7 =	sor.u32 $0x1, s5  }
.LBB1_7:
0xa: {  	s16 =	sadd.s32 $0x10, s11  }
0xb: {  	s14 =	sadd.s32 $0x20, s12;
	s18 =	smov.u32 s12;
	p1 =	sgt.s32 s16, $0x9F  }
0xc: {  	s18 =	smov.u32 @p1 s14  }
0xd: {  	s16 =	simm.s32 @p1 $0x0;
	p1 =	sgt.s32 s18, $0x54  }
0xe: {  	s18 =	smov.u32 @p1 s2;
	p1 =	sne.s32 s13, s7  }
.Ltmp1:
0xf: {  	p0 =	slt.u32 s13, $0x2;
	(pc) =	sbr.rel @!p1 .LBB1_8-.Ltmp1, $4  }
0x10: {  	s17 =	simm.s32 @!p0 $0x2  }
0x11: {  	s15 =	smov.u32 s12;
	s10 =	sadd.s32 $0x4000, s10;
	_ =	swait.ge @!p0 [sflag:s17], $0x4000  }
0x12: {  	s14 =	smov.u32 s11;
	[sflag:s17] =	ssyncset.done @!p0 $0x0;
	s11 =	smov.u32 s16  }
0x13: {  	s13 =	sadd.s32 $0x1, s13;
	[sflag:s17] =	ssyncadd.s32 @!p0 $0xFFFFC000;
	s12 =	smov.u32 s18  }
.LBB1_1:
0x14: {  	p0 =	sge.u32 s13, s5  }
0x15: {  	s16 =	smul.u32 @!p0 $0x5000, s12  }
0x16: {  	s31 =	sadd.s32 $0xFFFFFFFF, s13;
	s17 =	sxor.u32 @!p0 $0xFFFFFFFF, s13  }
0x17: {  	s18 =	sshll.u32 @!p0 s11, $0x7;
	s17 =	sshll.u32 @!p0 s17, $0xE;
	s16 =	sadd.s32 @!p0 s3, s16  }
0x18: {  	s17 =	sand.u32 @!p0 $0x4000, s17;
	s16 =	sadd.s32 @!p0 s18, s16;
	s18 =	simm.s32 @!p0 $0x0  }
0x19: {  	[tilespmem:s17], [sflag:$0x1] =	stream.linear.gather @!p0 [hbm4b:s16+s18], $0x4000, $0x38;
	[tilespmem:$0x10000] =	vst v63  }
0x1a: {  	p0 =	sge.u32 s31, s5  }
.Ltmp2:
0x1b: {  	_ = 	snop;
	(pc) =	sbr.rel @p0 .LBB1_7-.Ltmp2, $1  }
0x1c: {  	_ =	sdelay $0x3  }
0x1d: {  	s16 =	sand.u32 $0x4000, s10  }
0x1e: {  	_ =	swait.ge [sflag:s4], $0x4000;
	s19 =	sshll.u32 s13, $0xE;
	s17 =	sor.u32 $0x8040, s16  }
0x1f: {  	s18 =	sor.u32 $0x40, s16;
	[sflag:s4] =	ssyncset.done $0x0;
	s31 =	sand.u32 $0x4000, s19  }
0x20: {  	s19 =	simm.s32 $0x0;
	[sflag:s4] =	ssyncadd.s32 $0xFFFFC000;
	s16 =	sor.u32 $0x8000, s31  }
.LBB1_3:
0x21: {  	v0 =	vmov s18;
	_ =	sdelay $0x3  }
0x22: {  	s21 =	simm.s32 $0x0  }
0x23: {  	v6 =	vld.idx.msk [tilespmem:v0+s21+$0x30 ss:$0x1], $0xffff  }
0x24: {  	v7 =	vld.idx.msk [tilespmem:v0+s21+$0xFFFFFFC0 ss:$0x1], $0xffff  }
0x25: {  	v5 =	vld.idx.msk [tilespmem:v0+s21+$0xFFFFFFD0 ss:$0x1], $0xffff  }
0x26: {  	v4 =	vld.idx.msk [tilespmem:v0+s21+$0xFFFFFFE0 ss:$0x1], $0xffff  }
0x27: {  	v3 =	vld.idx.msk [tilespmem:v0+s21+$0xFFFFFFF0 ss:$0x1], $0xffff  }
0x28: {  	v1 =	vld.idx.msk [tilespmem:v0+s21+$0x0 ss:$0x1], $0xffff  }
0x29: {  	v2 =	vld.idx.msk [tilespmem:v0+s21+$0x10 ss:$0x1], $0xffff;
	[tilespmem:s17+$0x30] =	vst v6  }
0x2a: {  	s20 =	simm.s32 $0x80;
	s22 =	simm.s32 $0x400;
	[tilespmem:s17+$0xFFFFFFC0] =	vst v7;
	v6 =	vld.idx.msk [tilespmem:v0+s21+$0x20 ss:$0x1], $0xffff;
	s21 =	smov.u32 s17  }
.LBB1_4:
0x2b: {  	p0 =	sne.s32 s22, $0xE00;
	v7 =	vld.idx.msk [tilespmem:v0+s20+$0x30 ss:$0x1], $0xffff;
	[tilespmem:s21+$0xFFFFFFD0] =	vst v5  }
0x2c: {  	v8 =	vld.idx.msk [tilespmem:v0+s20+$0xFFFFFFC0 ss:$0x1], $0xffff;
	[tilespmem:s21+$0xFFFFFFE0] =	vst v4  }
0x2d: {  	v5 =	vld.idx.msk [tilespmem:v0+s20+$0xFFFFFFD0 ss:$0x1], $0xffff;
	[tilespmem:s21+$0xFFFFFFF0] =	vst v3  }
.Ltmp3:
0x2e: {  	v4 =	vld.idx.msk [tilespmem:v0+s20+$0xFFFFFFE0 ss:$0x1], $0xffff;
	[tilespmem:s21+$0x0] =	vst v1;
	(pc) =	sbr.rel @p0 .LBB1_4-.Ltmp3, $4  }
0x2f: {  	v3 =	vld.idx.msk [tilespmem:v0+s20+$0xFFFFFFF0 ss:$0x1], $0xffff;
	[tilespmem:s21+$0x10] =	vst v2  }
0x30: {  	v1 =	vld.idx.msk [tilespmem:v0+s20+$0x0 ss:$0x1], $0xffff;
	[tilespmem:s21+$0x20] =	vst v6;
	s21 =	sadd.s32 $0x800, s21  }
0x31: {  	v2 =	vld.idx.msk [tilespmem:v0+s20+$0x10 ss:$0x1], $0xffff;
	[tilespmem:s21+$0x30] =	vst v7  }
0x32: {  	[tilespmem:s21+$0xFFFFFFC0] =	vst v8;
	v6 =	vld.idx.msk [tilespmem:v0+s20+$0x20 ss:$0x1], $0xffff;
	s20 =	sshra.s32 s22, $0x2;
	s22 =	sadd.s32 $0x200, s22  }
0x33: {  	_ =	sdelay $0x2  }
0x34: {  	[tilespmem:s21+$0xFFFFFFD0] =	vst v5  }
0x35: {  	v56 =	vld.idx.msk [tilespmem:v0+s20+$0x30 ss:$0x1], $0xffff;
	[tilespmem:s21+$0xFFFFFFE0] =	vst v4  }
0x36: {  	v57 =	vld.idx.msk [tilespmem:v0+s20+$0xFFFFFFC0 ss:$0x1], $0xffff;
	[tilespmem:s21+$0xFFFFFFF0] =	vst v3  }
0x37: {  	v58 =	vld.idx.msk [tilespmem:v0+s20+$0xFFFFFFD0 ss:$0x1], $0xffff;
	[tilespmem:s21+$0x0] =	vst v1  }
0x38: {  	v59 =	vld.idx.msk [tilespmem:v0+s20+$0xFFFFFFE0 ss:$0x1], $0xffff;
	[tilespmem:s21+$0x10] =	vst v2  }
0x39: {  	v60 =	vld.idx.msk [tilespmem:v0+s20+$0xFFFFFFF0 ss:$0x1], $0xffff;
	s31 =	sadd.s32 $0x800, s21;
	[tilespmem:s21+$0x20] =	vst v6  }
0x3a: {  	v61 =	vld.idx.msk [tilespmem:v0+s20+$0x0 ss:$0x1], $0xffff;
	[tilespmem:s31+$0x30] =	vst v56  }
0x3b: {  	v62 =	vld.idx.msk [tilespmem:v0+s20+$0x10 ss:$0x1], $0xffff;
	s19 =	sadd.s32 $0x1, s19;
	[tilespmem:s31+$0xFFFFFFC0] =	vst v57  }
0x3c: {  	v63 =	vld.idx.msk [tilespmem:v0+s20+$0x20 ss:$0x1], $0xffff;
	p0 =	sne.s32 s19, $0x10;
	[tilespmem:s31+$0xFFFFFFD0] =	vst v58  }
.Ltmp4:
0x3d: {  	[tilespmem:s31+$0xFFFFFFE0] =	vst v59;
	(pc) =	sbr.rel @p0 .LBB1_3-.Ltmp4, $4  }
0x3e: {  	[tilespmem:s31+$0xFFFFFFF0] =	vst v60  }
0x3f: {  	[tilespmem:s31+$0x0] =	vst v61  }
0x40: {  	[tilespmem:s31+$0x10] =	vst v62  }
0x41: {  	s17 =	sadd.s32 $0x80, s17;
	s18 =	sadd.s32 $0x400, s18;
	[tilespmem:s31+$0x20] =	vst v63  }
0x42: {  	s14 =	sand.u32 $0x1FFFFFF, s14  }
0x43: {  	s17 =	smulhi.u32 $0x199999A, s14  }
0x44: {  	s15 =	smul.u32 $0x5000, s15  }
0x45: {  	s17 =	smul.u32 $0xA0, s17  }
.Ltmp5:
0x46: {  	_ = 	snop;
	(pc) =	sbr.rel .LBB1_7-.Ltmp5, $4  }
0x47: {  	s14 =	ssub.s32 s14, s17  }
0x48: {  	s15 =	sadd.s32 s6, s15;
	s14 =	sshll.u32 s14, $0x4  }
0x49: {  	s14 =	sadd.s32 s14, s15  }
0x4a: {  	[hbm4b:s14+s8] =	stream.strided.scatter [tilespmem:s16], [sflag:$0x2], $0x4000, s9, s8, $0x38;
	[tilespmem:$0x10000] =	vst v63  }
.LBB1_8:
0x4b: {  	_ =	sfence.sel $0x180000  }
0x4c: {  	s2 =	simm.s32 $0x1;
	[bflag:$0x0] =	sbarrier.arrive $0xFFFF  }
0x4d: {  	s31 =	simm.s32 $0x2;
	[sflag:s2] =	ssyncpa.u1 $0x1  }
0x4e: {  	[sflag:s31] =	ssyncpa.u1 $0x1  }
0x4f: {  	p0 =	sne.s32 s0, $0x0;
	_ =	strace $0x90000047  }
0x50: {  	s0 =	sadd.s32 @!p0 $0x100000, s1;
	[bflag:$0x2] =	sbarrier.arrive $0xFFFF  }
0x51: {  	[sflag:s0] =	ssyncadd.tile.s32 @!p0 $0x1;
	_ =	shalt  }
.Lfunc_end1:
_tile_overlayer_lowered:
.L_overlay_start_2:
0x52: {  	(tag) =	ssettag $0x2  }
0x53: {  	s0 =	rddreg [dreg:$0x0];
	s2 =	stileid.u32  }
0x54: {  	s1 =	rddreg [dreg:$0x1];
	p0 =	sne.s32 s2, $0x0  }
0x55: {  	s3 =	rddreg [dreg:$0x2];
	[bflag:$0x3] =	sbarrier.arrive $0xFFFF;
	s2 =	simm.s32 @!p0 $0x1C01  }
0x56: {  	[timem:s3], [sflag:s2] =	dma.local @!p0 [hbm:s0], s1  }
0x57: {  	s0 =	simm.s32 @!p0 $0x1  }
0x58: {  	_ =	swait.ge @!p0 [sflag:s0], s1  }
0x59: {  	s1 =	ssub.s32 @!p0 $0x0, s1;
	[sflag:s0] =	ssyncset.done @!p0 $0x0  }
0x5a: {  	[sflag:s0] =	ssyncadd.s32 @!p0 s1  }
0x5b: {  	[bflag:$0x3] =	sbarrier.arrive $0xFFFF  }
0x5c: {  	_ =	shalt  }

</sc_bundles>
